<compile_context>
chip_gen: v7x
topology: tpu7x:2x2x1
jax: 0.10.2.dev20260603
libtpu: 0.0.44.dev20260713+nightly
codegen_flags: <defaults>
</compile_context>

<pallas_src>
import jax
import jax.numpy as jnp
from jax.experimental import pallas as pl
from jax.experimental.pallas import tpu as pltpu

_SA_CFG = [("sa1", 2048, 0.2, 64), ("sa2", 1024, 0.4, 32), ("sa3", 512, 0.8, 16), ("sa4", 256, 1.2, 16)]


def _fps_pallas(xyz, npoint):
    B, N, _ = xyz.shape
    Nr = (N + 127) // 128
    Np = Nr * 128
    xt = jnp.pad(xyz, ((0, 0), (0, Np - N), (0, 0)))
    xs = xt[:, :, 0].reshape(B, Nr, 128)
    ys = xt[:, :, 1].reshape(B, Nr, 128)
    zs = xt[:, :, 2].reshape(B, Nr, 128)

    def kern(x_ref, y_ref, z_ref, o_ref, dist_ref):
        ridx = jax.lax.broadcasted_iota(jnp.int32, (Nr, 128), 0)
        lidx = jax.lax.broadcasted_iota(jnp.int32, (Nr, 128), 1)
        gidx = ridx * 128 + lidx
        valid = gidx < N
        dist_ref[...] = jnp.where(valid, jnp.float32(1e10), -jnp.inf)
        xv = x_ref[0]
        yv = y_ref[0]
        zv = z_ref[0]

        def body(i, far):
            o_ref[0, 0, i] = far
            m = gidx == far
            cx = jnp.sum(jnp.where(m, xv, 0.0))
            cy = jnp.sum(jnp.where(m, yv, 0.0))
            cz = jnp.sum(jnp.where(m, zv, 0.0))
            d = (xv - cx) ** 2 + (yv - cy) ** 2 + (zv - cz) ** 2
            nd = jnp.minimum(dist_ref[...], d)
            nd = jnp.where(valid, nd, -jnp.inf)
            dist_ref[...] = nd
            mx = jnp.max(nd)
            cand = jnp.where(nd == mx, gidx, jnp.int32(Np))
            return jnp.min(cand).astype(jnp.int32)

        jax.lax.fori_loop(0, npoint, body, jnp.int32(0))

    out = pl.pallas_call(
        kern,
        grid=(B,),
        in_specs=[pl.BlockSpec((1, Nr, 128), lambda b: (b, 0, 0))] * 3,
        out_specs=pl.BlockSpec((1, 1, npoint), lambda b: (b, 0, 0), memory_space=pltpu.SMEM),
        out_shape=jax.ShapeDtypeStruct((B, 1, npoint), jnp.int32),
        scratch_shapes=[pltpu.VMEM((Nr, 128), jnp.float32)],
    )(xs, ys, zs)
    return out.reshape(B, npoint)


def _gather(pts, idx):
    return jax.vmap(lambda p, i: p[i])(pts, idx)


def _pairwise_sqdist(a, b):
    return jnp.maximum(
        jnp.sum(a * a, -1)[:, :, None] + jnp.sum(b * b, -1)[:, None, :]
        - 2.0 * jnp.einsum('bnc,bmc->bnm', a, b), 0.0)


def _ball_query(radius, nsample, xyz, new_xyz):
    Nn = xyz.shape[1]
    d2 = _pairwise_sqdist(new_xyz, xyz)
    keys = jnp.where(d2 < radius * radius, jnp.arange(Nn, dtype=jnp.int32)[None, None, :], Nn)
    neg, _ = jax.lax.top_k(-keys, nsample)
    idx = -neg
    first = idx[..., :1]
    idx = jnp.where(idx >= Nn, jnp.where(first >= Nn, 0, first), idx)
    return idx


def _bn_train(x, gamma, beta):
    axes = tuple(range(x.ndim - 1))
    mean = jnp.mean(x, axis=axes, keepdims=True)
    var = jnp.var(x, axis=axes, keepdims=True)
    return (x - mean) / jnp.sqrt(var + 1e-5) * gamma + beta


def _mlp(x, params, prefix, nlayers):
    for i in range(nlayers):
        x = x @ params[f"{prefix}_w{i}"] + params[f"{prefix}_b{i}"]
        x = _bn_train(x, params[f"{prefix}_g{i}"], params[f"{prefix}_be{i}"])
        x = jax.nn.relu(x)
    return x


def _fp_apply(unknown_xyz, known_xyz, unknown_feats, known_feats, params, prefix):
    d2 = _pairwise_sqdist(unknown_xyz, known_xyz)
    neg, idx = jax.lax.top_k(-d2, 3)
    dist = -neg
    dist_recip = 1.0 / (dist + 1e-8)
    weight = dist_recip / jnp.sum(dist_recip, axis=-1, keepdims=True)
    interpolated = jnp.sum(_gather(known_feats, idx) * weight[..., None], axis=2)
    x = jnp.concatenate([interpolated, unknown_feats], axis=-1)
    return _mlp(x, params, prefix, 2)


def kernel(pointcloud, params):
    xyz = pointcloud[..., 0:3]
    cur_xyz = xyz
    cur_feats = None
    xyzs, featss, fps_list = [], [], []
    for name, npoint, radius, nsample in _SA_CFG:
        inds = _fps_pallas(cur_xyz, npoint)
        new_xyz = _gather(cur_xyz, inds)
        bq = _ball_query(radius, nsample, cur_xyz, new_xyz)
        grouped_xyz = (_gather(cur_xyz, bq) - new_xyz[:, :, None, :]) / radius
        if cur_feats is not None:
            grouped = jnp.concatenate([grouped_xyz, _gather(cur_feats, bq)], axis=-1)
        else:
            grouped = grouped_xyz
        new_feats = jnp.max(_mlp(grouped, params, name, 3), axis=2)
        xyzs.append(new_xyz)
        featss.append(new_feats)
        fps_list.append(inds)
        cur_xyz, cur_feats = new_xyz, new_feats

    f = _fp_apply(xyzs[2], xyzs[3], featss[2], featss[3], params, "fp1")
    f = _fp_apply(xyzs[1], xyzs[2], featss[1], f, params, "fp2")
    fp2_features = jnp.transpose(f, (0, 2, 1))
    fp2_xyz = xyzs[1]
    fp2_inds = fps_list[0][:, :1024]
    return fp2_features, fp2_xyz, fp2_inds

# --- scband reference (transcript-rebuilt; emitter-appended) ---
"""Pipeline reference for scband-pointnet2-backbone-10075993276693 (READ-ONLY COPY).

The authoritative reference and input builder live on the scoring server;
editing this copy changes nothing except your own understanding.
"""

import jax, jax.numpy as jnp
import numpy as np

B = 4
N = 20000
SA_CFG = [("sa1", 2048, 0.2, 64), ("sa2", 1024, 0.4, 32), ("sa3", 512, 0.8, 16), ("sa4", 256, 1.2, 16)]
MLP_DIMS = {"sa1": [3, 64, 64, 128], "sa2": [131, 128, 128, 256], "sa3": [259, 128, 128, 256], "sa4": [259, 128, 128, 256], "fp1": [512, 512, 512], "fp2": [768, 512, 512]}


def setup_inputs(seed: int = 0):
    key = jax.random.key(seed)
    key, k1 = jax.random.split(key)
    pointcloud = jax.random.normal(k1, (B, N, 3), dtype=jnp.float32)
    params = {}
    for name, dims in MLP_DIMS.items():
        for i in range(len(dims) - 1):
            key, kw = jax.random.split(key)
            params[f"{name}_w{i}"] = jax.random.normal(kw, (dims[i], dims[i + 1]), dtype=jnp.float32) / np.sqrt(dims[i])
            params[f"{name}_b{i}"] = jnp.zeros((dims[i + 1],), dtype=jnp.float32)
            params[f"{name}_g{i}"] = jnp.ones((dims[i + 1],), dtype=jnp.float32)
            params[f"{name}_be{i}"] = jnp.zeros((dims[i + 1],), dtype=jnp.float32)
    return {"pointcloud": pointcloud, "params": params}


def gather_points(pts, idx):
    # pts (B, N, C), idx (B, ...) int -> (B, ..., C)
    return jax.vmap(lambda p, i: p[i])(pts, idx)


def fps(xyz, npoint):
    Bn, Nn, _ = xyz.shape

    def body(i, state):
        dists, farthest, inds = state
        inds = inds.at[:, i].set(farthest)
        centroid = xyz[jnp.arange(Bn), farthest][:, None, :]
        d = jnp.sum((xyz - centroid) ** 2, axis=-1)
        dists = jnp.minimum(dists, d)
        farthest = jnp.argmax(dists, axis=-1).astype(jnp.int32)
        return (dists, farthest, inds)

    state = (jnp.full((Bn, Nn), 1e10, dtype=jnp.float32), jnp.zeros((Bn,), jnp.int32), jnp.zeros((Bn, npoint), jnp.int32))
    _, _, inds = jax.lax.fori_loop(0, npoint, body, state)
    return inds


def pairwise_sqdist(a, b):
    return jnp.maximum(jnp.sum(a * a, -1)[:, :, None] + jnp.sum(b * b, -1)[:, None, :] - 2.0 * jnp.einsum('bnc,bmc->bnm', a, b), 0.0)


def ball_query(radius, nsample, xyz, new_xyz):
    Nn = xyz.shape[1]
    d2 = pairwise_sqdist(new_xyz, xyz)
    keys = jnp.where(d2 < radius * radius, jnp.arange(Nn, dtype=jnp.int32)[None, None, :], Nn)
    neg, _ = jax.lax.top_k(-keys, nsample)
    idx = -neg
    first = idx[..., :1]
    idx = jnp.where(idx >= Nn, jnp.where(first >= Nn, 0, first), idx)
    return idx


def compute_indices(xyz):
    idxs = []
    cur = xyz
    for name, npoint, radius, nsample in SA_CFG:
        inds = fps(cur, npoint)
        new_xyz = gather_points(cur, inds)
        bq = ball_query(radius, nsample, cur, new_xyz)
        idxs.append((inds, bq))
        cur = new_xyz
    return idxs


def bn_train(x, gamma, beta):
    axes = tuple(range(x.ndim - 1))
    mean = jnp.mean(x, axis=axes, keepdims=True)
    var = jnp.var(x, axis=axes, keepdims=True)
    return (x - mean) / jnp.sqrt(var + 1e-5) * gamma + beta


def mlp(x, params, prefix, nlayers):
    for i in range(nlayers):
        x = x @ params[f"{prefix}_w{i}"] + params[f"{prefix}_b{i}"]
        x = bn_train(x, params[f"{prefix}_g{i}"], params[f"{prefix}_be{i}"])
        x = jax.nn.relu(x)
    return x


def sa_apply(xyz, features, inds, bq, radius, params, prefix):
    new_xyz = gather_points(xyz, inds)
    grouped_xyz = (gather_points(xyz, bq) - new_xyz[:, :, None, :]) / radius
    if features is not None:
        grouped = jnp.concatenate([grouped_xyz, gather_points(features, bq)], axis=-1)
    else:
        grouped = grouped_xyz
    x = mlp(grouped, params, prefix, 3)
    return new_xyz, jnp.max(x, axis=2)


def fp_apply(unknown_xyz, known_xyz, unknown_feats, known_feats, params, prefix):
    d2 = pairwise_sqdist(unknown_xyz, known_xyz)
    neg, idx = jax.lax.top_k(-d2, 3)
    dist = -neg
    dist_recip = 1.0 / (dist + 1e-8)
    weight = dist_recip / jnp.sum(dist_recip, axis=-1, keepdims=True)
    interpolated = jnp.sum(gather_points(known_feats, jax.lax.stop_gradient(idx)) * weight[..., None], axis=2)
    x = jnp.concatenate([interpolated, unknown_feats], axis=-1)
    return mlp(x, params, prefix, 2)


def forward(pointcloud, params, idxs):
    xyz = pointcloud[..., 0:3]
    feats = None
    xyzs, featss, fps_list = [], [], []
    for (name, npoint, radius, nsample), (inds, bq) in zip(SA_CFG, idxs):
        xyz, feats = sa_apply(xyz, feats, inds, bq, radius, params, name)
        xyzs.append(xyz)
        featss.append(feats)
        fps_list.append(inds)
    f = fp_apply(xyzs[2], xyzs[3], featss[2], featss[3], params, "fp1")
    f = fp_apply(xyzs[1], xyzs[2], featss[1], f, params, "fp2")
    fp2_features = jnp.transpose(f, (0, 2, 1))
    fp2_xyz = xyzs[1]
    fp2_inds = fps_list[0][:, :1024]
    return fp2_features, fp2_xyz, fp2_inds


def reference(pointcloud, params):
    idxs = jax.lax.stop_gradient(compute_indices(pointcloud[..., 0:3]))
    return forward(pointcloud, params, idxs)

if __name__ == "__main__":
    import jax
    _d = setup_inputs()
    print(jax.jit(kernel)(*tuple(_d.values())))

</pallas_src>

<mosaic_0001>
module attributes {stable_mosaic.version = 14 : i64} {
  func.func @kern(%arg0: i32, %arg1: memref<1x157x128xf32, #tpu.memory_space<vmem>>, %arg2: memref<1x157x128xf32, #tpu.memory_space<vmem>>, %arg3: memref<1x157x128xf32, #tpu.memory_space<vmem>>, %arg4: memref<1x1x2048xi32, #tpu.memory_space<smem>>, %arg5: memref<157x128xf32, #tpu.memory_space<vmem>>) attributes {dimension_semantics = [#tpu.dimension_semantics<arbitrary>], iteration_bounds = array<i64: 4>, scalar_prefetch = 0 : i64, scratch_operands = 1 : i64, tpu.core_type = #tpu.core_type<tc>, window_params = [{transform_indices = @transform_0, window_bounds = array<i64: 1, 157, 128>}, {transform_indices = @transform_1, window_bounds = array<i64: 1, 157, 128>}, {transform_indices = @transform_2, window_bounds = array<i64: 1, 157, 128>}, {transform_indices = @transform_3, window_bounds = array<i64: 1, 1, 2048>}]} {
    %iota3A = tpu.iota {dimensions = array<i32: 0>} : vector<157x128xi32>
    %iota3A_0 = tpu.iota {dimensions = array<i32: 1>} : vector<157x128xi32>
    %mul3A = arith.constant 128 : i32
    %mul3A_1 = vector.broadcast %mul3A : i32 to vector<157x128xi32>
    %mul3A_2 = arith.muli %iota3A, %mul3A_1 : vector<157x128xi32>
    %add3A = arith.addi %mul3A_2, %iota3A_0 : vector<157x128xi32>
    %lt3A = arith.constant 20000 : i32
    %lt3A_3 = vector.broadcast %lt3A : i32 to vector<157x128xi32>
    %lt3A_4 = arith.cmpi slt, %add3A, %lt3A_3 : vector<157x128xi32>
    %jit3A = arith.constant 1.000000e+10 : f32
    %jit3A_5 = arith.constant 0xFF800000 : f32
    %broadcast_in_dim3A = vector.broadcast %jit3A : f32 to vector<157x128xf32>
    %broadcast_in_dim3A_6 = vector.broadcast %jit3A_5 : f32 to vector<157x128xf32>
    %select_n3A = arith.select %lt3A_4, %broadcast_in_dim3A, %broadcast_in_dim3A_6 : vector<157x128xi1>, vector<157x128xf32>
    %swap3A = arith.constant 0 : index
    %swap3A_7 = arith.constant 0 : index
    %swap3A_8 = vector.load %arg5[%swap3A, %swap3A_7] : memref<157x128xf32, #tpu.memory_space<vmem>>, vector<157x128xf32>
    tpu.vector_store %arg5[%swap3A, %swap3A_7], %select_n3A {strides = array<i32>} : memref<157x128xf32, #tpu.memory_space<vmem>>, vector<157x128xf32>,
    %get3A = arith.constant 0 : index
    %get3A_9 = arith.constant 0 : index
    %get3A_10 = arith.constant 0 : index
    %get3A_11 = vector.load %arg1[%get3A, %get3A_9, %get3A_10] : memref<1x157x128xf32, #tpu.memory_space<vmem>>, vector<1x157x128xf32>
    %get3A_12 = vector.shape_cast %get3A_11 : vector<1x157x128xf32> to vector<157x128xf32>
    %get3A_13 = arith.constant 0 : index
    %get3A_14 = arith.constant 0 : index
    %get3A_15 = arith.constant 0 : index
    %get3A_16 = vector.load %arg2[%get3A_13, %get3A_14, %get3A_15] : memref<1x157x128xf32, #tpu.memory_space<vmem>>, vector<1x157x128xf32>
    %get3A_17 = vector.shape_cast %get3A_16 : vector<1x157x128xf32> to vector<157x128xf32>
    %get3A_18 = arith.constant 0 : index
    %get3A_19 = arith.constant 0 : index
    %get3A_20 = arith.constant 0 : index
    %get3A_21 = vector.load %arg3[%get3A_18, %get3A_19, %get3A_20] : memref<1x157x128xf32, #tpu.memory_space<vmem>>, vector<1x157x128xf32>
    %get3A_22 = vector.shape_cast %get3A_21 : vector<1x157x128xf32> to vector<157x128xf32>
    %scan3A = arith.constant 0 : i32
    %scan3A_23 = arith.constant 0 : i32
    %scan3A_24 = arith.constant 2048 : i32
    %scan3A_25 = arith.addi %scan3A_23, %scan3A_24 : i32
    %scan3A_26 = arith.constant 1 : i32
    %scan3A_27 = scf.for %scan3A_29 = %scan3A_23 to %scan3A_25 step %scan3A_26 iter_args(%scan3A_30 = %scan3A) -> (i32)  : i32 {
      %swap3A_31 = arith.constant 0 : index
      %swap3A_32 = arith.constant 0 : index
      %swap3A_33 = arith.index_cast %scan3A_29 : i32 to index
      %swap3A_34 = memref.load %arg4[%swap3A_31, %swap3A_32, %swap3A_33] : memref<1x1x2048xi32, #tpu.memory_space<smem>>
      memref.store %scan3A_30, %arg4[%swap3A_31, %swap3A_32, %swap3A_33] : memref<1x1x2048xi32, #tpu.memory_space<smem>>
      %eq3A = vector.broadcast %scan3A_30 : i32 to vector<157x128xi32>
      %eq3A_35 = arith.cmpi eq, %add3A, %eq3A : vector<157x128xi32>
      %jit3A_36 = arith.constant 0.000000e+00 : f32
      %broadcast_in_dim3A_37 = vector.broadcast %jit3A_36 : f32 to vector<157x128xf32>
      %select_n3A_38 = arith.select %eq3A_35, %get3A_12, %broadcast_in_dim3A_37 : vector<157x128xi1>, vector<157x128xf32>
      %reduce_sum3A = vector.shape_cast %select_n3A_38 : vector<157x128xf32> to vector<1x157x128xf32>
      %reduce_sum3A_39 = arith.constant dense<0.000000e+00> : vector<1xf32>
      %reduce_sum3A_40 = vector.multi_reduction <add>, %reduce_sum3A, %reduce_sum3A_39 [1, 2] : vector<1x157x128xf32> to vector<1xf32>
      %reduce_sum3A_41 = vector.shape_cast %reduce_sum3A_40 : vector<1xf32> to vector<1x1x1xf32>
      %reduce_sum3A_42 = vector.extract %reduce_sum3A_41[0, 0, 0] : f32 from vector<1x1x1xf32>
      %jit3A_43 = arith.constant 0.000000e+00 : f32
      %broadcast_in_dim3A_44 = vector.broadcast %jit3A_43 : f32 to vector<157x128xf32>
      %select_n3A_45 = arith.select %eq3A_35, %get3A_17, %broadcast_in_dim3A_44 : vector<157x128xi1>, vector<157x128xf32>
      %reduce_sum3A_46 = vector.shape_cast %select_n3A_45 : vector<157x128xf32> to vector<1x157x128xf32>
      %reduce_sum3A_47 = arith.constant dense<0.000000e+00> : vector<1xf32>
      %reduce_sum3A_48 = vector.multi_reduction <add>, %reduce_sum3A_46, %reduce_sum3A_47 [1, 2] : vector<1x157x128xf32> to vector<1xf32>
      %reduce_sum3A_49 = vector.shape_cast %reduce_sum3A_48 : vector<1xf32> to vector<1x1x1xf32>
      %reduce_sum3A_50 = vector.extract %reduce_sum3A_49[0, 0, 0] : f32 from vector<1x1x1xf32>
      %jit3A_51 = arith.constant 0.000000e+00 : f32
      %broadcast_in_dim3A_52 = vector.broadcast %jit3A_51 : f32 to vector<157x128xf32>
      %select_n3A_53 = arith.select %eq3A_35, %get3A_22, %broadcast_in_dim3A_52 : vector<157x128xi1>, vector<157x128xf32>
      %reduce_sum3A_54 = vector.shape_cast %select_n3A_53 : vector<157x128xf32> to vector<1x157x128xf32>
      %reduce_sum3A_55 = arith.constant dense<0.000000e+00> : vector<1xf32>
      %reduce_sum3A_56 = vector.multi_reduction <add>, %reduce_sum3A_54, %reduce_sum3A_55 [1, 2] : vector<1x157x128xf32> to vector<1xf32>
      %reduce_sum3A_57 = vector.shape_cast %reduce_sum3A_56 : vector<1xf32> to vector<1x1x1xf32>
      %reduce_sum3A_58 = vector.extract %reduce_sum3A_57[0, 0, 0] : f32 from vector<1x1x1xf32>
      %sub3A = vector.broadcast %reduce_sum3A_42 : f32 to vector<157x128xf32>
      %sub3A_59 = arith.subf %get3A_12, %sub3A : vector<157x128xf32>
      %integer_pow3A = arith.mulf %sub3A_59, %sub3A_59 : vector<157x128xf32>
      %sub3A_60 = vector.broadcast %reduce_sum3A_50 : f32 to vector<157x128xf32>
      %sub3A_61 = arith.subf %get3A_17, %sub3A_60 : vector<157x128xf32>
      %integer_pow3A_62 = arith.mulf %sub3A_61, %sub3A_61 : vector<157x128xf32>
      %add3A_63 = arith.addf %integer_pow3A, %integer_pow3A_62 : vector<157x128xf32>
      %sub3A_64 = vector.broadcast %reduce_sum3A_58 : f32 to vector<157x128xf32>
      %sub3A_65 = arith.subf %get3A_22, %sub3A_64 : vector<157x128xf32>
      %integer_pow3A_66 = arith.mulf %sub3A_65, %sub3A_65 : vector<157x128xf32>
      %add3A_67 = arith.addf %add3A_63, %integer_pow3A_66 : vector<157x128xf32>
      %get3A_68 = arith.constant 0 : index
      %get3A_69 = arith.constant 0 : index
      %get3A_70 = vector.load %arg5[%get3A_68, %get3A_69] : memref<157x128xf32, #tpu.memory_space<vmem>>, vector<157x128xf32>
      %min3A = arith.minimumf %get3A_70, %add3A_67 : vector<157x128xf32>
      %jit3A_71 = arith.constant 0xFF800000 : f32
      %broadcast_in_dim3A_72 = vector.broadcast %jit3A_71 : f32 to vector<157x128xf32>
      %select_n3A_73 = arith.select %lt3A_4, %min3A, %broadcast_in_dim3A_72 : vector<157x128xi1>, vector<157x128xf32>
      %swap3A_74 = arith.constant 0 : index
      %swap3A_75 = arith.constant 0 : index
      %swap3A_76 = vector.load %arg5[%swap3A_74, %swap3A_75] : memref<157x128xf32, #tpu.memory_space<vmem>>, vector<157x128xf32>
      tpu.vector_store %arg5[%swap3A_74, %swap3A_75], %select_n3A_73 {strides = array<i32>} : memref<157x128xf32, #tpu.memory_space<vmem>>, vector<157x128xf32>,
      %reduce_max3A = vector.shape_cast %select_n3A_73 : vector<157x128xf32> to vector<1x157x128xf32>
      %reduce_max3A_77 = arith.constant dense<0xFF800000> : vector<1xf32>
      %reduce_max3A_78 = vector.multi_reduction <maximumf>, %reduce_max3A, %reduce_max3A_77 [1, 2] : vector<1x157x128xf32> to vector<1xf32>
      %reduce_max3A_79 = vector.shape_cast %reduce_max3A_78 : vector<1xf32> to vector<1x1x1xf32>
      %reduce_max3A_80 = vector.extract %reduce_max3A_79[0, 0, 0] : f32 from vector<1x1x1xf32>
      %eq3A_81 = vector.broadcast %reduce_max3A_80 : f32 to vector<157x128xf32>
      %eq3A_82 = arith.cmpf oeq, %select_n3A_73, %eq3A_81 : vector<157x128xf32>
      %jit3A_83 = arith.constant 20096 : i32
      %broadcast_in_dim3A_84 = vector.broadcast %jit3A_83 : i32 to vector<157x128xi32>
      %select_n3A_85 = arith.select %eq3A_82, %add3A, %broadcast_in_dim3A_84 : vector<157x128xi1>, vector<157x128xi32>
      %reduce_min3A = vector.shape_cast %select_n3A_85 : vector<157x128xi32> to vector<1x157x128xi32>
      %reduce_min3A_86 = arith.constant dense<2147483647> : vector<1xi32>
      %reduce_min3A_87 = vector.multi_reduction <minsi>, %reduce_min3A, %reduce_min3A_86 [1, 2] : vector<1x157x128xi32> to vector<1xi32>
      %reduce_min3A_88 = vector.shape_cast %reduce_min3A_87 : vector<1xi32> to vector<1x1x1xi32>
      %reduce_min3A_89 = vector.extract %reduce_min3A_88[0, 0, 0] : i32 from vector<1x1x1xi32>
      scf.yield %reduce_min3A_89 : i32
    }
    %scan3A_28 = arith.constant 2048 : i32
    return
  }
  func.func @transform_0(%arg0: i32) -> (i32, i32, i32) {
    %c0_i32 = arith.constant 0 : i32
    %c0_i32_0 = arith.constant 0 : i32
    %c0_i32_1 = arith.constant 0 : i32
    return %arg0, %c0_i32, %c0_i32_0 : i32, i32, i32
  }
  func.func @transform_1(%arg0: i32) -> (i32, i32, i32) {
    %c0_i32 = arith.constant 0 : i32
    %c0_i32_0 = arith.constant 0 : i32
    %c0_i32_1 = arith.constant 0 : i32
    return %arg0, %c0_i32, %c0_i32_0 : i32, i32, i32
  }
  func.func @transform_2(%arg0: i32) -> (i32, i32, i32) {
    %c0_i32 = arith.constant 0 : i32
    %c0_i32_0 = arith.constant 0 : i32
    %c0_i32_1 = arith.constant 0 : i32
    return %arg0, %c0_i32, %c0_i32_0 : i32, i32, i32
  }
  func.func @transform_3(%arg0: i32) -> (i32, i32, i32) {
    %c0_i32 = arith.constant 0 : i32
    %c0_i32_0 = arith.constant 0 : i32
    %c0_i32_1 = arith.constant 0 : i32
    return %arg0, %c0_i32, %c0_i32_0 : i32, i32, i32
  }
}

module attributes {stable_mosaic.version = 14 : i64} {
  func.func @kern(%arg0: i32, %arg1: memref<1x16x128xf32, #tpu.memory_space<vmem>>, %arg2: memref<1x16x128xf32, #tpu.memory_space<vmem>>, %arg3: memref<1x16x128xf32, #tpu.memory_space<vmem>>, %arg4: memref<1x1x1024xi32, #tpu.memory_space<smem>>, %arg5: memref<16x128xf32, #tpu.memory_space<vmem>>) attributes {dimension_semantics = [#tpu.dimension_semantics<arbitrary>], iteration_bounds = array<i64: 4>, scalar_prefetch = 0 : i64, scratch_operands = 1 : i64, tpu.core_type = #tpu.core_type<tc>, window_params = [{transform_indices = @transform_0, window_bounds = array<i64: 1, 16, 128>}, {transform_indices = @transform_1, window_bounds = array<i64: 1, 16, 128>}, {transform_indices = @transform_2, window_bounds = array<i64: 1, 16, 128>}, {transform_indices = @transform_3, window_bounds = array<i64: 1, 1, 1024>}]} {
    %iota3A = tpu.iota {dimensions = array<i32: 0>} : vector<16x128xi32>
    %iota3A_0 = tpu.iota {dimensions = array<i32: 1>} : vector<16x128xi32>
    %mul3A = arith.constant 128 : i32
    %mul3A_1 = vector.broadcast %mul3A : i32 to vector<16x128xi32>
    %mul3A_2 = arith.muli %iota3A, %mul3A_1 : vector<16x128xi32>
    %add3A = arith.addi %mul3A_2, %iota3A_0 : vector<16x128xi32>
    %lt3A = arith.constant 2048 : i32
    %lt3A_3 = vector.broadcast %lt3A : i32 to vector<16x128xi32>
    %lt3A_4 = arith.cmpi slt, %add3A, %lt3A_3 : vector<16x128xi32>
    %jit3A = arith.constant 1.000000e+10 : f32
    %jit3A_5 = arith.constant 0xFF800000 : f32
    %broadcast_in_dim3A = vector.broadcast %jit3A : f32 to vector<16x128xf32>
    %broadcast_in_dim3A_6 = vector.broadcast %jit3A_5 : f32 to vector<16x128xf32>
    %select_n3A = arith.select %lt3A_4, %broadcast_in_dim3A, %broadcast_in_dim3A_6 : vector<16x128xi1>, vector<16x128xf32>
    %swap3A = arith.constant 0 : index
    %swap3A_7 = arith.constant 0 : index
    %swap3A_8 = vector.load %arg5[%swap3A, %swap3A_7] : memref<16x128xf32, #tpu.memory_space<vmem>>, vector<16x128xf32>
    tpu.vector_store %arg5[%swap3A, %swap3A_7], %select_n3A {strides = array<i32>} : memref<16x128xf32, #tpu.memory_space<vmem>>, vector<16x128xf32>,
    %get3A = arith.constant 0 : index
    %get3A_9 = arith.constant 0 : index
    %get3A_10 = arith.constant 0 : index
    %get3A_11 = vector.load %arg1[%get3A, %get3A_9, %get3A_10] : memref<1x16x128xf32, #tpu.memory_space<vmem>>, vector<1x16x128xf32>
    %get3A_12 = vector.shape_cast %get3A_11 : vector<1x16x128xf32> to vector<16x128xf32>
    %get3A_13 = arith.constant 0 : index
    %get3A_14 = arith.constant 0 : index
    %get3A_15 = arith.constant 0 : index
    %get3A_16 = vector.load %arg2[%get3A_13, %get3A_14, %get3A_15] : memref<1x16x128xf32, #tpu.memory_space<vmem>>, vector<1x16x128xf32>
    %get3A_17 = vector.shape_cast %get3A_16 : vector<1x16x128xf32> to vector<16x128xf32>
    %get3A_18 = arith.constant 0 : index
    %get3A_19 = arith.constant 0 : index
    %get3A_20 = arith.constant 0 : index
    %get3A_21 = vector.load %arg3[%get3A_18, %get3A_19, %get3A_20] : memref<1x16x128xf32, #tpu.memory_space<vmem>>, vector<1x16x128xf32>
    %get3A_22 = vector.shape_cast %get3A_21 : vector<1x16x128xf32> to vector<16x128xf32>
    %scan3A = arith.constant 0 : i32
    %scan3A_23 = arith.constant 0 : i32
    %scan3A_24 = arith.constant 1024 : i32
    %scan3A_25 = arith.addi %scan3A_23, %scan3A_24 : i32
    %scan3A_26 = arith.constant 1 : i32
    %scan3A_27 = scf.for %scan3A_29 = %scan3A_23 to %scan3A_25 step %scan3A_26 iter_args(%scan3A_30 = %scan3A) -> (i32)  : i32 {
      %swap3A_31 = arith.constant 0 : index
      %swap3A_32 = arith.constant 0 : index
      %swap3A_33 = arith.index_cast %scan3A_29 : i32 to index
      %swap3A_34 = memref.load %arg4[%swap3A_31, %swap3A_32, %swap3A_33] : memref<1x1x1024xi32, #tpu.memory_space<smem>>
      memref.store %scan3A_30, %arg4[%swap3A_31, %swap3A_32, %swap3A_33] : memref<1x1x1024xi32, #tpu.memory_space<smem>>
      %eq3A = vector.broadcast %scan3A_30 : i32 to vector<16x128xi32>
      %eq3A_35 = arith.cmpi eq, %add3A, %eq3A : vector<16x128xi32>
      %jit3A_36 = arith.constant 0.000000e+00 : f32
      %broadcast_in_dim3A_37 = vector.broadcast %jit3A_36 : f32 to vector<16x128xf32>
      %select_n3A_38 = arith.select %eq3A_35, %get3A_12, %broadcast_in_dim3A_37 : vector<16x128xi1>, vector<16x128xf32>
      %reduce_sum3A = vector.shape_cast %select_n3A_38 : vector<16x128xf32> to vector<1x16x128xf32>
      %reduce_sum3A_39 = arith.constant dense<0.000000e+00> : vector<1xf32>
      %reduce_sum3A_40 = vector.multi_reduction <add>, %reduce_sum3A, %reduce_sum3A_39 [1, 2] : vector<1x16x128xf32> to vector<1xf32>
      %reduce_sum3A_41 = vector.shape_cast %reduce_sum3A_40 : vector<1xf32> to vector<1x1x1xf32>
      %reduce_sum3A_42 = vector.extract %reduce_sum3A_41[0, 0, 0] : f32 from vector<1x1x1xf32>
      %jit3A_43 = arith.constant 0.000000e+00 : f32
      %broadcast_in_dim3A_44 = vector.broadcast %jit3A_43 : f32 to vector<16x128xf32>
      %select_n3A_45 = arith.select %eq3A_35, %get3A_17, %broadcast_in_dim3A_44 : vector<16x128xi1>, vector<16x128xf32>
      %reduce_sum3A_46 = vector.shape_cast %select_n3A_45 : vector<16x128xf32> to vector<1x16x128xf32>
      %reduce_sum3A_47 = arith.constant dense<0.000000e+00> : vector<1xf32>
      %reduce_sum3A_48 = vector.multi_reduction <add>, %reduce_sum3A_46, %reduce_sum3A_47 [1, 2] : vector<1x16x128xf32> to vector<1xf32>
      %reduce_sum3A_49 = vector.shape_cast %reduce_sum3A_48 : vector<1xf32> to vector<1x1x1xf32>
      %reduce_sum3A_50 = vector.extract %reduce_sum3A_49[0, 0, 0] : f32 from vector<1x1x1xf32>
      %jit3A_51 = arith.constant 0.000000e+00 : f32
      %broadcast_in_dim3A_52 = vector.broadcast %jit3A_51 : f32 to vector<16x128xf32>
      %select_n3A_53 = arith.select %eq3A_35, %get3A_22, %broadcast_in_dim3A_52 : vector<16x128xi1>, vector<16x128xf32>
      %reduce_sum3A_54 = vector.shape_cast %select_n3A_53 : vector<16x128xf32> to vector<1x16x128xf32>
      %reduce_sum3A_55 = arith.constant dense<0.000000e+00> : vector<1xf32>
      %reduce_sum3A_56 = vector.multi_reduction <add>, %reduce_sum3A_54, %reduce_sum3A_55 [1, 2] : vector<1x16x128xf32> to vector<1xf32>
      %reduce_sum3A_57 = vector.shape_cast %reduce_sum3A_56 : vector<1xf32> to vector<1x1x1xf32>
      %reduce_sum3A_58 = vector.extract %reduce_sum3A_57[0, 0, 0] : f32 from vector<1x1x1xf32>
      %sub3A = vector.broadcast %reduce_sum3A_42 : f32 to vector<16x128xf32>
      %sub3A_59 = arith.subf %get3A_12, %sub3A : vector<16x128xf32>
      %integer_pow3A = arith.mulf %sub3A_59, %sub3A_59 : vector<16x128xf32>
      %sub3A_60 = vector.broadcast %reduce_sum3A_50 : f32 to vector<16x128xf32>
      %sub3A_61 = arith.subf %get3A_17, %sub3A_60 : vector<16x128xf32>
      %integer_pow3A_62 = arith.mulf %sub3A_61, %sub3A_61 : vector<16x128xf32>
      %add3A_63 = arith.addf %integer_pow3A, %integer_pow3A_62 : vector<16x128xf32>
      %sub3A_64 = vector.broadcast %reduce_sum3A_58 : f32 to vector<16x128xf32>
      %sub3A_65 = arith.subf %get3A_22, %sub3A_64 : vector<16x128xf32>
      %integer_pow3A_66 = arith.mulf %sub3A_65, %sub3A_65 : vector<16x128xf32>
      %add3A_67 = arith.addf %add3A_63, %integer_pow3A_66 : vector<16x128xf32>
      %get3A_68 = arith.constant 0 : index
      %get3A_69 = arith.constant 0 : index
      %get3A_70 = vector.load %arg5[%get3A_68, %get3A_69] : memref<16x128xf32, #tpu.memory_space<vmem>>, vector<16x128xf32>
      %min3A = arith.minimumf %get3A_70, %add3A_67 : vector<16x128xf32>
      %jit3A_71 = arith.constant 0xFF800000 : f32
      %broadcast_in_dim3A_72 = vector.broadcast %jit3A_71 : f32 to vector<16x128xf32>
      %select_n3A_73 = arith.select %lt3A_4, %min3A, %broadcast_in_dim3A_72 : vector<16x128xi1>, vector<16x128xf32>
      %swap3A_74 = arith.constant 0 : index
      %swap3A_75 = arith.constant 0 : index
      %swap3A_76 = vector.load %arg5[%swap3A_74, %swap3A_75] : memref<16x128xf32, #tpu.memory_space<vmem>>, vector<16x128xf32>
      tpu.vector_store %arg5[%swap3A_74, %swap3A_75], %select_n3A_73 {strides = array<i32>} : memref<16x128xf32, #tpu.memory_space<vmem>>, vector<16x128xf32>,
      %reduce_max3A = vector.shape_cast %select_n3A_73 : vector<16x128xf32> to vector<1x16x128xf32>
      %reduce_max3A_77 = arith.constant dense<0xFF800000> : vector<1xf32>
      %reduce_max3A_78 = vector.multi_reduction <maximumf>, %reduce_max3A, %reduce_max3A_77 [1, 2] : vector<1x16x128xf32> to vector<1xf32>
      %reduce_max3A_79 = vector.shape_cast %reduce_max3A_78 : vector<1xf32> to vector<1x1x1xf32>
      %reduce_max3A_80 = vector.extract %reduce_max3A_79[0, 0, 0] : f32 from vector<1x1x1xf32>
      %eq3A_81 = vector.broadcast %reduce_max3A_80 : f32 to vector<16x128xf32>
      %eq3A_82 = arith.cmpf oeq, %select_n3A_73, %eq3A_81 : vector<16x128xf32>
      %jit3A_83 = arith.constant 2048 : i32
      %broadcast_in_dim3A_84 = vector.broadcast %jit3A_83 : i32 to vector<16x128xi32>
      %select_n3A_85 = arith.select %eq3A_82, %add3A, %broadcast_in_dim3A_84 : vector<16x128xi1>, vector<16x128xi32>
      %reduce_min3A = vector.shape_cast %select_n3A_85 : vector<16x128xi32> to vector<1x16x128xi32>
      %reduce_min3A_86 = arith.constant dense<2147483647> : vector<1xi32>
      %reduce_min3A_87 = vector.multi_reduction <minsi>, %reduce_min3A, %reduce_min3A_86 [1, 2] : vector<1x16x128xi32> to vector<1xi32>
      %reduce_min3A_88 = vector.shape_cast %reduce_min3A_87 : vector<1xi32> to vector<1x1x1xi32>
      %reduce_min3A_89 = vector.extract %reduce_min3A_88[0, 0, 0] : i32 from vector<1x1x1xi32>
      scf.yield %reduce_min3A_89 : i32
    }
    %scan3A_28 = arith.constant 1024 : i32
    return
  }
  func.func @transform_0(%arg0: i32) -> (i32, i32, i32) {
    %c0_i32 = arith.constant 0 : i32
    %c0_i32_0 = arith.constant 0 : i32
    %c0_i32_1 = arith.constant 0 : i32
    return %arg0, %c0_i32, %c0_i32_0 : i32, i32, i32
  }
  func.func @transform_1(%arg0: i32) -> (i32, i32, i32) {
    %c0_i32 = arith.constant 0 : i32
    %c0_i32_0 = arith.constant 0 : i32
    %c0_i32_1 = arith.constant 0 : i32
    return %arg0, %c0_i32, %c0_i32_0 : i32, i32, i32
  }
  func.func @transform_2(%arg0: i32) -> (i32, i32, i32) {
    %c0_i32 = arith.constant 0 : i32
    %c0_i32_0 = arith.constant 0 : i32
    %c0_i32_1 = arith.constant 0 : i32
    return %arg0, %c0_i32, %c0_i32_0 : i32, i32, i32
  }
  func.func @transform_3(%arg0: i32) -> (i32, i32, i32) {
    %c0_i32 = arith.constant 0 : i32
    %c0_i32_0 = arith.constant 0 : i32
    %c0_i32_1 = arith.constant 0 : i32
    return %arg0, %c0_i32, %c0_i32_0 : i32, i32, i32
  }
}

module attributes {stable_mosaic.version = 14 : i64} {
  func.func @kern(%arg0: i32, %arg1: memref<1x8x128xf32, #tpu.memory_space<vmem>>, %arg2: memref<1x8x128xf32, #tpu.memory_space<vmem>>, %arg3: memref<1x8x128xf32, #tpu.memory_space<vmem>>, %arg4: memref<1x1x512xi32, #tpu.memory_space<smem>>, %arg5: memref<8x128xf32, #tpu.memory_space<vmem>>) attributes {dimension_semantics = [#tpu.dimension_semantics<arbitrary>], iteration_bounds = array<i64: 4>, scalar_prefetch = 0 : i64, scratch_operands = 1 : i64, tpu.core_type = #tpu.core_type<tc>, window_params = [{transform_indices = @transform_0, window_bounds = array<i64: 1, 8, 128>}, {transform_indices = @transform_1, window_bounds = array<i64: 1, 8, 128>}, {transform_indices = @transform_2, window_bounds = array<i64: 1, 8, 128>}, {transform_indices = @transform_3, window_bounds = array<i64: 1, 1, 512>}]} {
    %iota3A = tpu.iota {dimensions = array<i32: 0>} : vector<8x128xi32>
    %iota3A_0 = tpu.iota {dimensions = array<i32: 1>} : vector<8x128xi32>
    %mul3A = arith.constant 128 : i32
    %mul3A_1 = vector.broadcast %mul3A : i32 to vector<8x128xi32>
    %mul3A_2 = arith.muli %iota3A, %mul3A_1 : vector<8x128xi32>
    %add3A = arith.addi %mul3A_2, %iota3A_0 : vector<8x128xi32>
    %lt3A = arith.constant 1024 : i32
    %lt3A_3 = vector.broadcast %lt3A : i32 to vector<8x128xi32>
    %lt3A_4 = arith.cmpi slt, %add3A, %lt3A_3 : vector<8x128xi32>
    %jit3A = arith.constant 1.000000e+10 : f32
    %jit3A_5 = arith.constant 0xFF800000 : f32
    %broadcast_in_dim3A = vector.broadcast %jit3A : f32 to vector<8x128xf32>
    %broadcast_in_dim3A_6 = vector.broadcast %jit3A_5 : f32 to vector<8x128xf32>
    %select_n3A = arith.select %lt3A_4, %broadcast_in_dim3A, %broadcast_in_dim3A_6 : vector<8x128xi1>, vector<8x128xf32>
    %swap3A = arith.constant 0 : index
    %swap3A_7 = arith.constant 0 : index
    %swap3A_8 = vector.load %arg5[%swap3A, %swap3A_7] : memref<8x128xf32, #tpu.memory_space<vmem>>, vector<8x128xf32>
    tpu.vector_store %arg5[%swap3A, %swap3A_7], %select_n3A {strides = array<i32>} : memref<8x128xf32, #tpu.memory_space<vmem>>, vector<8x128xf32>,
    %get3A = arith.constant 0 : index
    %get3A_9 = arith.constant 0 : index
    %get3A_10 = arith.constant 0 : index
    %get3A_11 = vector.load %arg1[%get3A, %get3A_9, %get3A_10] : memref<1x8x128xf32, #tpu.memory_space<vmem>>, vector<1x8x128xf32>
    %get3A_12 = vector.shape_cast %get3A_11 : vector<1x8x128xf32> to vector<8x128xf32>
    %get3A_13 = arith.constant 0 : index
    %get3A_14 = arith.constant 0 : index
    %get3A_15 = arith.constant 0 : index
    %get3A_16 = vector.load %arg2[%get3A_13, %get3A_14, %get3A_15] : memref<1x8x128xf32, #tpu.memory_space<vmem>>, vector<1x8x128xf32>
    %get3A_17 = vector.shape_cast %get3A_16 : vector<1x8x128xf32> to vector<8x128xf32>
    %get3A_18 = arith.constant 0 : index
    %get3A_19 = arith.constant 0 : index
    %get3A_20 = arith.constant 0 : index
    %get3A_21 = vector.load %arg3[%get3A_18, %get3A_19, %get3A_20] : memref<1x8x128xf32, #tpu.memory_space<vmem>>, vector<1x8x128xf32>
    %get3A_22 = vector.shape_cast %get3A_21 : vector<1x8x128xf32> to vector<8x128xf32>
    %scan3A = arith.constant 0 : i32
    %scan3A_23 = arith.constant 0 : i32
    %scan3A_24 = arith.constant 512 : i32
    %scan3A_25 = arith.addi %scan3A_23, %scan3A_24 : i32
    %scan3A_26 = arith.constant 1 : i32
    %scan3A_27 = scf.for %scan3A_29 = %scan3A_23 to %scan3A_25 step %scan3A_26 iter_args(%scan3A_30 = %scan3A) -> (i32)  : i32 {
      %swap3A_31 = arith.constant 0 : index
      %swap3A_32 = arith.constant 0 : index
      %swap3A_33 = arith.index_cast %scan3A_29 : i32 to index
      %swap3A_34 = memref.load %arg4[%swap3A_31, %swap3A_32, %swap3A_33] : memref<1x1x512xi32, #tpu.memory_space<smem>>
      memref.store %scan3A_30, %arg4[%swap3A_31, %swap3A_32, %swap3A_33] : memref<1x1x512xi32, #tpu.memory_space<smem>>
      %eq3A = vector.broadcast %scan3A_30 : i32 to vector<8x128xi32>
      %eq3A_35 = arith.cmpi eq, %add3A, %eq3A : vector<8x128xi32>
      %jit3A_36 = arith.constant 0.000000e+00 : f32
      %broadcast_in_dim3A_37 = vector.broadcast %jit3A_36 : f32 to vector<8x128xf32>
      %select_n3A_38 = arith.select %eq3A_35, %get3A_12, %broadcast_in_dim3A_37 : vector<8x128xi1>, vector<8x128xf32>
      %reduce_sum3A = vector.shape_cast %select_n3A_38 : vector<8x128xf32> to vector<1x8x128xf32>
      %reduce_sum3A_39 = arith.constant dense<0.000000e+00> : vector<1xf32>
      %reduce_sum3A_40 = vector.multi_reduction <add>, %reduce_sum3A, %reduce_sum3A_39 [1, 2] : vector<1x8x128xf32> to vector<1xf32>
      %reduce_sum3A_41 = vector.shape_cast %reduce_sum3A_40 : vector<1xf32> to vector<1x1x1xf32>
      %reduce_sum3A_42 = vector.extract %reduce_sum3A_41[0, 0, 0] : f32 from vector<1x1x1xf32>
      %jit3A_43 = arith.constant 0.000000e+00 : f32
      %broadcast_in_dim3A_44 = vector.broadcast %jit3A_43 : f32 to vector<8x128xf32>
      %select_n3A_45 = arith.select %eq3A_35, %get3A_17, %broadcast_in_dim3A_44 : vector<8x128xi1>, vector<8x128xf32>
      %reduce_sum3A_46 = vector.shape_cast %select_n3A_45 : vector<8x128xf32> to vector<1x8x128xf32>
      %reduce_sum3A_47 = arith.constant dense<0.000000e+00> : vector<1xf32>
      %reduce_sum3A_48 = vector.multi_reduction <add>, %reduce_sum3A_46, %reduce_sum3A_47 [1, 2] : vector<1x8x128xf32> to vector<1xf32>
      %reduce_sum3A_49 = vector.shape_cast %reduce_sum3A_48 : vector<1xf32> to vector<1x1x1xf32>
      %reduce_sum3A_50 = vector.extract %reduce_sum3A_49[0, 0, 0] : f32 from vector<1x1x1xf32>
      %jit3A_51 = arith.constant 0.000000e+00 : f32
      %broadcast_in_dim3A_52 = vector.broadcast %jit3A_51 : f32 to vector<8x128xf32>
      %select_n3A_53 = arith.select %eq3A_35, %get3A_22, %broadcast_in_dim3A_52 : vector<8x128xi1>, vector<8x128xf32>
      %reduce_sum3A_54 = vector.shape_cast %select_n3A_53 : vector<8x128xf32> to vector<1x8x128xf32>
      %reduce_sum3A_55 = arith.constant dense<0.000000e+00> : vector<1xf32>
      %reduce_sum3A_56 = vector.multi_reduction <add>, %reduce_sum3A_54, %reduce_sum3A_55 [1, 2] : vector<1x8x128xf32> to vector<1xf32>
      %reduce_sum3A_57 = vector.shape_cast %reduce_sum3A_56 : vector<1xf32> to vector<1x1x1xf32>
      %reduce_sum3A_58 = vector.extract %reduce_sum3A_57[0, 0, 0] : f32 from vector<1x1x1xf32>
      %sub3A = vector.broadcast %reduce_sum3A_42 : f32 to vector<8x128xf32>
      %sub3A_59 = arith.subf %get3A_12, %sub3A : vector<8x128xf32>
      %integer_pow3A = arith.mulf %sub3A_59, %sub3A_59 : vector<8x128xf32>
      %sub3A_60 = vector.broadcast %reduce_sum3A_50 : f32 to vector<8x128xf32>
      %sub3A_61 = arith.subf %get3A_17, %sub3A_60 : vector<8x128xf32>
      %integer_pow3A_62 = arith.mulf %sub3A_61, %sub3A_61 : vector<8x128xf32>
      %add3A_63 = arith.addf %integer_pow3A, %integer_pow3A_62 : vector<8x128xf32>
      %sub3A_64 = vector.broadcast %reduce_sum3A_58 : f32 to vector<8x128xf32>
      %sub3A_65 = arith.subf %get3A_22, %sub3A_64 : vector<8x128xf32>
      %integer_pow3A_66 = arith.mulf %sub3A_65, %sub3A_65 : vector<8x128xf32>
      %add3A_67 = arith.addf %add3A_63, %integer_pow3A_66 : vector<8x128xf32>
      %get3A_68 = arith.constant 0 : index
      %get3A_69 = arith.constant 0 : index
      %get3A_70 = vector.load %arg5[%get3A_68, %get3A_69] : memref<8x128xf32, #tpu.memory_space<vmem>>, vector<8x128xf32>
      %min3A = arith.minimumf %get3A_70, %add3A_67 : vector<8x128xf32>
      %jit3A_71 = arith.constant 0xFF800000 : f32
      %broadcast_in_dim3A_72 = vector.broadcast %jit3A_71 : f32 to vector<8x128xf32>
      %select_n3A_73 = arith.select %lt3A_4, %min3A, %broadcast_in_dim3A_72 : vector<8x128xi1>, vector<8x128xf32>
      %swap3A_74 = arith.constant 0 : index
      %swap3A_75 = arith.constant 0 : index
      %swap3A_76 = vector.load %arg5[%swap3A_74, %swap3A_75] : memref<8x128xf32, #tpu.memory_space<vmem>>, vector<8x128xf32>
      tpu.vector_store %arg5[%swap3A_74, %swap3A_75], %select_n3A_73 {strides = array<i32>} : memref<8x128xf32, #tpu.memory_space<vmem>>, vector<8x128xf32>,
      %reduce_max3A = vector.shape_cast %select_n3A_73 : vector<8x128xf32> to vector<1x8x128xf32>
      %reduce_max3A_77 = arith.constant dense<0xFF800000> : vector<1xf32>
      %reduce_max3A_78 = vector.multi_reduction <maximumf>, %reduce_max3A, %reduce_max3A_77 [1, 2] : vector<1x8x128xf32> to vector<1xf32>
      %reduce_max3A_79 = vector.shape_cast %reduce_max3A_78 : vector<1xf32> to vector<1x1x1xf32>
      %reduce_max3A_80 = vector.extract %reduce_max3A_79[0, 0, 0] : f32 from vector<1x1x1xf32>
      %eq3A_81 = vector.broadcast %reduce_max3A_80 : f32 to vector<8x128xf32>
      %eq3A_82 = arith.cmpf oeq, %select_n3A_73, %eq3A_81 : vector<8x128xf32>
      %jit3A_83 = arith.constant 1024 : i32
      %broadcast_in_dim3A_84 = vector.broadcast %jit3A_83 : i32 to vector<8x128xi32>
      %select_n3A_85 = arith.select %eq3A_82, %add3A, %broadcast_in_dim3A_84 : vector<8x128xi1>, vector<8x128xi32>
      %reduce_min3A = vector.shape_cast %select_n3A_85 : vector<8x128xi32> to vector<1x8x128xi32>
      %reduce_min3A_86 = arith.constant dense<2147483647> : vector<1xi32>
      %reduce_min3A_87 = vector.multi_reduction <minsi>, %reduce_min3A, %reduce_min3A_86 [1, 2] : vector<1x8x128xi32> to vector<1xi32>
      %reduce_min3A_88 = vector.shape_cast %reduce_min3A_87 : vector<1xi32> to vector<1x1x1xi32>
      %reduce_min3A_89 = vector.extract %reduce_min3A_88[0, 0, 0] : i32 from vector<1x1x1xi32>
      scf.yield %reduce_min3A_89 : i32
    }
    %scan3A_28 = arith.constant 512 : i32
    return
  }
  func.func @transform_0(%arg0: i32) -> (i32, i32, i32) {
    %c0_i32 = arith.constant 0 : i32
    %c0_i32_0 = arith.constant 0 : i32
    %c0_i32_1 = arith.constant 0 : i32
    return %arg0, %c0_i32, %c0_i32_0 : i32, i32, i32
  }
  func.func @transform_1(%arg0: i32) -> (i32, i32, i32) {
    %c0_i32 = arith.constant 0 : i32
    %c0_i32_0 = arith.constant 0 : i32
    %c0_i32_1 = arith.constant 0 : i32
    return %arg0, %c0_i32, %c0_i32_0 : i32, i32, i32
  }
  func.func @transform_2(%arg0: i32) -> (i32, i32, i32) {
    %c0_i32 = arith.constant 0 : i32
    %c0_i32_0 = arith.constant 0 : i32
    %c0_i32_1 = arith.constant 0 : i32
    return %arg0, %c0_i32, %c0_i32_0 : i32, i32, i32
  }
  func.func @transform_3(%arg0: i32) -> (i32, i32, i32) {
    %c0_i32 = arith.constant 0 : i32
    %c0_i32_0 = arith.constant 0 : i32
    %c0_i32_1 = arith.constant 0 : i32
    return %arg0, %c0_i32, %c0_i32_0 : i32, i32, i32
  }
}

module attributes {stable_mosaic.version = 14 : i64} {
  func.func @kern(%arg0: i32, %arg1: memref<1x4x128xf32, #tpu.memory_space<vmem>>, %arg2: memref<1x4x128xf32, #tpu.memory_space<vmem>>, %arg3: memref<1x4x128xf32, #tpu.memory_space<vmem>>, %arg4: memref<1x1x256xi32, #tpu.memory_space<smem>>, %arg5: memref<4x128xf32, #tpu.memory_space<vmem>>) attributes {dimension_semantics = [#tpu.dimension_semantics<arbitrary>], iteration_bounds = array<i64: 4>, scalar_prefetch = 0 : i64, scratch_operands = 1 : i64, tpu.core_type = #tpu.core_type<tc>, window_params = [{transform_indices = @transform_0, window_bounds = array<i64: 1, 4, 128>}, {transform_indices = @transform_1, window_bounds = array<i64: 1, 4, 128>}, {transform_indices = @transform_2, window_bounds = array<i64: 1, 4, 128>}, {transform_indices = @transform_3, window_bounds = array<i64: 1, 1, 256>}]} {
    %iota3A = tpu.iota {dimensions = array<i32: 0>} : vector<4x128xi32>
    %iota3A_0 = tpu.iota {dimensions = array<i32: 1>} : vector<4x128xi32>
    %mul3A = arith.constant 128 : i32
    %mul3A_1 = vector.broadcast %mul3A : i32 to vector<4x128xi32>
    %mul3A_2 = arith.muli %iota3A, %mul3A_1 : vector<4x128xi32>
    %add3A = arith.addi %mul3A_2, %iota3A_0 : vector<4x128xi32>
    %lt3A = arith.constant 512 : i32
    %lt3A_3 = vector.broadcast %lt3A : i32 to vector<4x128xi32>
    %lt3A_4 = arith.cmpi slt, %add3A, %lt3A_3 : vector<4x128xi32>
    %jit3A = arith.constant 1.000000e+10 : f32
    %jit3A_5 = arith.constant 0xFF800000 : f32
    %broadcast_in_dim3A = vector.broadcast %jit3A : f32 to vector<4x128xf32>
    %broadcast_in_dim3A_6 = vector.broadcast %jit3A_5 : f32 to vector<4x128xf32>
    %select_n3A = arith.select %lt3A_4, %broadcast_in_dim3A, %broadcast_in_dim3A_6 : vector<4x128xi1>, vector<4x128xf32>
    %swap3A = arith.constant 0 : index
    %swap3A_7 = arith.constant 0 : index
    %swap3A_8 = vector.load %arg5[%swap3A, %swap3A_7] : memref<4x128xf32, #tpu.memory_space<vmem>>, vector<4x128xf32>
    tpu.vector_store %arg5[%swap3A, %swap3A_7], %select_n3A {strides = array<i32>} : memref<4x128xf32, #tpu.memory_space<vmem>>, vector<4x128xf32>,
    %get3A = arith.constant 0 : index
    %get3A_9 = arith.constant 0 : index
    %get3A_10 = arith.constant 0 : index
    %get3A_11 = vector.load %arg1[%get3A, %get3A_9, %get3A_10] : memref<1x4x128xf32, #tpu.memory_space<vmem>>, vector<1x4x128xf32>
    %get3A_12 = vector.shape_cast %get3A_11 : vector<1x4x128xf32> to vector<4x128xf32>
    %get3A_13 = arith.constant 0 : index
    %get3A_14 = arith.constant 0 : index
    %get3A_15 = arith.constant 0 : index
    %get3A_16 = vector.load %arg2[%get3A_13, %get3A_14, %get3A_15] : memref<1x4x128xf32, #tpu.memory_space<vmem>>, vector<1x4x128xf32>
    %get3A_17 = vector.shape_cast %get3A_16 : vector<1x4x128xf32> to vector<4x128xf32>
    %get3A_18 = arith.constant 0 : index
    %get3A_19 = arith.constant 0 : index
    %get3A_20 = arith.constant 0 : index
    %get3A_21 = vector.load %arg3[%get3A_18, %get3A_19, %get3A_20] : memref<1x4x128xf32, #tpu.memory_space<vmem>>, vector<1x4x128xf32>
    %get3A_22 = vector.shape_cast %get3A_21 : vector<1x4x128xf32> to vector<4x128xf32>
    %scan3A = arith.constant 0 : i32
    %scan3A_23 = arith.constant 0 : i32
    %scan3A_24 = arith.constant 256 : i32
    %scan3A_25 = arith.addi %scan3A_23, %scan3A_24 : i32
    %scan3A_26 = arith.constant 1 : i32
    %scan3A_27 = scf.for %scan3A_29 = %scan3A_23 to %scan3A_25 step %scan3A_26 iter_args(%scan3A_30 = %scan3A) -> (i32)  : i32 {
      %swap3A_31 = arith.constant 0 : index
      %swap3A_32 = arith.constant 0 : index
      %swap3A_33 = arith.index_cast %scan3A_29 : i32 to index
      %swap3A_34 = memref.load %arg4[%swap3A_31, %swap3A_32, %swap3A_33] : memref<1x1x256xi32, #tpu.memory_space<smem>>
      memref.store %scan3A_30, %arg4[%swap3A_31, %swap3A_32, %swap3A_33] : memref<1x1x256xi32, #tpu.memory_space<smem>>
      %eq3A = vector.broadcast %scan3A_30 : i32 to vector<4x128xi32>
      %eq3A_35 = arith.cmpi eq, %add3A, %eq3A : vector<4x128xi32>
      %jit3A_36 = arith.constant 0.000000e+00 : f32
      %broadcast_in_dim3A_37 = vector.broadcast %jit3A_36 : f32 to vector<4x128xf32>
      %select_n3A_38 = arith.select %eq3A_35, %get3A_12, %broadcast_in_dim3A_37 : vector<4x128xi1>, vector<4x128xf32>
      %reduce_sum3A = vector.shape_cast %select_n3A_38 : vector<4x128xf32> to vector<1x4x128xf32>
      %reduce_sum3A_39 = arith.constant dense<0.000000e+00> : vector<1xf32>
      %reduce_sum3A_40 = vector.multi_reduction <add>, %reduce_sum3A, %reduce_sum3A_39 [1, 2] : vector<1x4x128xf32> to vector<1xf32>
      %reduce_sum3A_41 = vector.shape_cast %reduce_sum3A_40 : vector<1xf32> to vector<1x1x1xf32>
      %reduce_sum3A_42 = vector.extract %reduce_sum3A_41[0, 0, 0] : f32 from vector<1x1x1xf32>
      %jit3A_43 = arith.constant 0.000000e+00 : f32
      %broadcast_in_dim3A_44 = vector.broadcast %jit3A_43 : f32 to vector<4x128xf32>
      %select_n3A_45 = arith.select %eq3A_35, %get3A_17, %broadcast_in_dim3A_44 : vector<4x128xi1>, vector<4x128xf32>
      %reduce_sum3A_46 = vector.shape_cast %select_n3A_45 : vector<4x128xf32> to vector<1x4x128xf32>
      %reduce_sum3A_47 = arith.constant dense<0.000000e+00> : vector<1xf32>
      %reduce_sum3A_48 = vector.multi_reduction <add>, %reduce_sum3A_46, %reduce_sum3A_47 [1, 2] : vector<1x4x128xf32> to vector<1xf32>
      %reduce_sum3A_49 = vector.shape_cast %reduce_sum3A_48 : vector<1xf32> to vector<1x1x1xf32>
      %reduce_sum3A_50 = vector.extract %reduce_sum3A_49[0, 0, 0] : f32 from vector<1x1x1xf32>
      %jit3A_51 = arith.constant 0.000000e+00 : f32
      %broadcast_in_dim3A_52 = vector.broadcast %jit3A_51 : f32 to vector<4x128xf32>
      %select_n3A_53 = arith.select %eq3A_35, %get3A_22, %broadcast_in_dim3A_52 : vector<4x128xi1>, vector<4x128xf32>
      %reduce_sum3A_54 = vector.shape_cast %select_n3A_53 : vector<4x128xf32> to vector<1x4x128xf32>
      %reduce_sum3A_55 = arith.constant dense<0.000000e+00> : vector<1xf32>
      %reduce_sum3A_56 = vector.multi_reduction <add>, %reduce_sum3A_54, %reduce_sum3A_55 [1, 2] : vector<1x4x128xf32> to vector<1xf32>
      %reduce_sum3A_57 = vector.shape_cast %reduce_sum3A_56 : vector<1xf32> to vector<1x1x1xf32>
      %reduce_sum3A_58 = vector.extract %reduce_sum3A_57[0, 0, 0] : f32 from vector<1x1x1xf32>
      %sub3A = vector.broadcast %reduce_sum3A_42 : f32 to vector<4x128xf32>
      %sub3A_59 = arith.subf %get3A_12, %sub3A : vector<4x128xf32>
      %integer_pow3A = arith.mulf %sub3A_59, %sub3A_59 : vector<4x128xf32>
      %sub3A_60 = vector.broadcast %reduce_sum3A_50 : f32 to vector<4x128xf32>
      %sub3A_61 = arith.subf %get3A_17, %sub3A_60 : vector<4x128xf32>
      %integer_pow3A_62 = arith.mulf %sub3A_61, %sub3A_61 : vector<4x128xf32>
      %add3A_63 = arith.addf %integer_pow3A, %integer_pow3A_62 : vector<4x128xf32>
      %sub3A_64 = vector.broadcast %reduce_sum3A_58 : f32 to vector<4x128xf32>
      %sub3A_65 = arith.subf %get3A_22, %sub3A_64 : vector<4x128xf32>
      %integer_pow3A_66 = arith.mulf %sub3A_65, %sub3A_65 : vector<4x128xf32>
      %add3A_67 = arith.addf %add3A_63, %integer_pow3A_66 : vector<4x128xf32>
      %get3A_68 = arith.constant 0 : index
      %get3A_69 = arith.constant 0 : index
      %get3A_70 = vector.load %arg5[%get3A_68, %get3A_69] : memref<4x128xf32, #tpu.memory_space<vmem>>, vector<4x128xf32>
      %min3A = arith.minimumf %get3A_70, %add3A_67 : vector<4x128xf32>
      %jit3A_71 = arith.constant 0xFF800000 : f32
      %broadcast_in_dim3A_72 = vector.broadcast %jit3A_71 : f32 to vector<4x128xf32>
      %select_n3A_73 = arith.select %lt3A_4, %min3A, %broadcast_in_dim3A_72 : vector<4x128xi1>, vector<4x128xf32>
      %swap3A_74 = arith.constant 0 : index
      %swap3A_75 = arith.constant 0 : index
      %swap3A_76 = vector.load %arg5[%swap3A_74, %swap3A_75] : memref<4x128xf32, #tpu.memory_space<vmem>>, vector<4x128xf32>
      tpu.vector_store %arg5[%swap3A_74, %swap3A_75], %select_n3A_73 {strides = array<i32>} : memref<4x128xf32, #tpu.memory_space<vmem>>, vector<4x128xf32>,
      %reduce_max3A = vector.shape_cast %select_n3A_73 : vector<4x128xf32> to vector<1x4x128xf32>
      %reduce_max3A_77 = arith.constant dense<0xFF800000> : vector<1xf32>
      %reduce_max3A_78 = vector.multi_reduction <maximumf>, %reduce_max3A, %reduce_max3A_77 [1, 2] : vector<1x4x128xf32> to vector<1xf32>
      %reduce_max3A_79 = vector.shape_cast %reduce_max3A_78 : vector<1xf32> to vector<1x1x1xf32>
      %reduce_max3A_80 = vector.extract %reduce_max3A_79[0, 0, 0] : f32 from vector<1x1x1xf32>
      %eq3A_81 = vector.broadcast %reduce_max3A_80 : f32 to vector<4x128xf32>
      %eq3A_82 = arith.cmpf oeq, %select_n3A_73, %eq3A_81 : vector<4x128xf32>
      %jit3A_83 = arith.constant 512 : i32
      %broadcast_in_dim3A_84 = vector.broadcast %jit3A_83 : i32 to vector<4x128xi32>
      %select_n3A_85 = arith.select %eq3A_82, %add3A, %broadcast_in_dim3A_84 : vector<4x128xi1>, vector<4x128xi32>
      %reduce_min3A = vector.shape_cast %select_n3A_85 : vector<4x128xi32> to vector<1x4x128xi32>
      %reduce_min3A_86 = arith.constant dense<2147483647> : vector<1xi32>
      %reduce_min3A_87 = vector.multi_reduction <minsi>, %reduce_min3A, %reduce_min3A_86 [1, 2] : vector<1x4x128xi32> to vector<1xi32>
      %reduce_min3A_88 = vector.shape_cast %reduce_min3A_87 : vector<1xi32> to vector<1x1x1xi32>
      %reduce_min3A_89 = vector.extract %reduce_min3A_88[0, 0, 0] : i32 from vector<1x1x1xi32>
      scf.yield %reduce_min3A_89 : i32
    }
    %scan3A_28 = arith.constant 256 : i32
    return
  }
  func.func @transform_0(%arg0: i32) -> (i32, i32, i32) {
    %c0_i32 = arith.constant 0 : i32
    %c0_i32_0 = arith.constant 0 : i32
    %c0_i32_1 = arith.constant 0 : i32
    return %arg0, %c0_i32, %c0_i32_0 : i32, i32, i32
  }
  func.func @transform_1(%arg0: i32) -> (i32, i32, i32) {
    %c0_i32 = arith.constant 0 : i32
    %c0_i32_0 = arith.constant 0 : i32
    %c0_i32_1 = arith.constant 0 : i32
    return %arg0, %c0_i32, %c0_i32_0 : i32, i32, i32
  }
  func.func @transform_2(%arg0: i32) -> (i32, i32, i32) {
    %c0_i32 = arith.constant 0 : i32
    %c0_i32_0 = arith.constant 0 : i32
    %c0_i32_1 = arith.constant 0 : i32
    return %arg0, %c0_i32, %c0_i32_0 : i32, i32, i32
  }
  func.func @transform_3(%arg0: i32) -> (i32, i32, i32) {
    %c0_i32 = arith.constant 0 : i32
    %c0_i32_0 = arith.constant 0 : i32
    %c0_i32_1 = arith.constant 0 : i32
    return %arg0, %c0_i32, %c0_i32_0 : i32, i32, i32
  }
}

</mosaic_0001>

<sc_bundles>
// kernel: gather_offload_async_start.1
scs
__scs_entry_jumppad:
0x0: {  	(pc) =	sbr.rel $0x88, $3  }
0x1: {  	(tag) =	ssettag $0x0;
	lr =	simm.s32 $0x1  }
0x2: {  	[smem:$0x3F60] =	sst lr;
	_ =	strace $0xD0000000  }
0x3: {  	_ = 	snop  }
0x4: {  	_ = 	snop  }
0x5: {  	_ = 	snop  }
0x6: {  	_ = 	snop  }
0x7: {  	_ = 	snop  }
__scs_overlays_trampoline_lowered:
0x8: {  	[smem:$0x3F6F] =	sst s0  }
0x9: {  	[smem:$0x3F70] =	sst s1  }
0xa: {  	[smem:$0x3F71] =	sst s2  }
0xb: {  	[smem:$0x3F72] =	sst s3  }
0xc: {  	[smem:$0x3F73] =	sst s4  }
0xd: {  	[smem:$0x3F74] =	sst s5  }
0xe: {  	[smem:$0x3F75] =	sst s6  }
0xf: {  	[smem:$0x3F76] =	sst s7  }
0x10: {  	[smem:$0x3F77] =	sst s8  }
0x11: {  	[smem:$0x3F78] =	sst s9;
	s0 =	simm.s32 @!p0 $0x0  }
0x12: {  	s1 =	sld [smem:$0x3F5E];
	s0 =	simm.s32 @p0 $0x1  }
0x13: {  	[smem:$0x3F79] =	sst s0;
	s0 =	simm.s32 @!p1 $0x0  }
0x14: {  	s2 =	sld [smem:$0x3F5D];
	s0 =	simm.s32 @p1 $0x1  }
0x15: {  	[smem:$0x3F7A] =	sst s0;
	s0 =	simm.s32 @!p2 $0x0  }
0x16: {  	s3 =	sld [smem:$0x3FDB];
	s0 =	simm.s32 @p2 $0x1  }
0x17: {  	s4 =	simm.s32 $0x1BF5;
	[smem:$0x3F7C] =	sst s0  }
0x18: {  	s0 =	sld [smem:$0x3F5F];
	_ =	swait.ge [sflag:s4], $0x0  }
0x19: {  	s7 =	sld [smem:$0x3F60]  }
0x1a: {  	s8 =	sadd.s32 $0xFFFFE003, lr  }
0x1b: {  	s9 =	sadd.s32 $0xFFFFFEF7, lr;
	s5 =	simm.s32 $0xFFFFFFFF;
	p2 =	slt.u32 s8, $0xFFFFF086  }
0x1c: {  	p1 =	slt.u32 s9, $0xF7A;
	s5 =	simm.s32 @!p2 $0x0  }
0x1d: {  	s5 =	simm.s32 @p1 $0x1;
	p0 =	seq.s32 s7, s2  }
0x1e: {  	s7 =	smul.u32 @!p0 $0xF7A, s2;
	p2 =	seq.s32 @!p0 s5, $0x0  }
0x1f: {  	s9 =	smul.u32 $0xF7A, s1;
	s8 =	simm.s32 @!p0 $0x1BF5;
	p2 =	por !p2, p0  }
0x20: {  	[sflag:s8] =	ssyncset.s32 @!p0 $0xFFFFF086;
	s6 =	sadd.s32 @!p0 s3, s7;
	s7 =	simm.s32 @!p0 $0x108  }
0x21: {  	s3 =	sadd.s32 s3, s9;
	s6 =	sadd.s32 @!p0 $0x88, s6;
	s7 =	simm.s32 @p2 $0x1082  }
0x22: {  	[simem:s7], [sflag:s8] =	dma.local @!p0 [hbm:s6], $0xF7A  }
0x23: {  	s9 =	sor.u32 $0xD0000000, s2;
	s6 =	simm.s32 $0x108;
	_ =	swait.ge @!p0 [sflag:s8], $0x0  }
0x24: {  	s3 =	sadd.s32 $0x88, s3;
	s6 =	simm.s32 @!p1 $0x1082;
	[sflag:s4] =	ssyncset.s32 $0xFFFFF086  }
0x25: {  	[simem:s6], [sflag:s4] =	dma.local [hbm:s3], $0xF7A  }
0x26: {  	[smem:$0x3F60] =	sst s1;
	(tag) =	ssettag s2;
	_ =	strace s9  }
0x27: {  	s1 =	sld [smem:$0x3F70]  }
0x28: {  	s2 =	sld [smem:$0x3F71]  }
0x29: {  	s4 =	sld [smem:$0x3F73]  }
0x2a: {  	p0 =	seq.s32 s5, $0x0;
	s5 =	sld [smem:$0x3F74]  }
0x2b: {  	s6 =	sld [smem:$0x3F75]  }
0x2c: {  	s7 =	sld [smem:$0x3F76]  }
0x2d: {  	s3 =	simm.s32 $0x108;
	s8 =	sld [smem:$0x3F77]  }
0x2e: {  	s3 =	simm.s32 @!p0 $0x1082;
	s9 =	sld [smem:$0x3F78]  }
0x2f: {  	lr =	sadd.s32 s0, s3;
	s0 =	sld [smem:$0x3F6F]  }
0x30: {  	s3 =	sld [smem:$0x3F72]  }
0x31: {  	[smem:$0x3F7B] =	sst s10  }
0x32: {  	s10 =	sld [smem:$0x3F79];
	_ =	sdelay $0x3  }
0x33: {  	p0 =	seq.s32 s10, $0x1;
	s10 =	sld [smem:$0x3F7B];
	_ =	sdelay $0x3  }
0x34: {  	[smem:$0x3F7B] =	sst s10  }
0x35: {  	s10 =	sld [smem:$0x3F7A];
	_ =	sdelay $0x3  }
0x36: {  	p1 =	seq.s32 s10, $0x1;
	s10 =	sld [smem:$0x3F7B];
	_ =	sdelay $0x3  }
0x37: {  	[smem:$0x3F7B] =	sst s10  }
0x38: {  	s10 =	sld [smem:$0x3F7C]  }
0x39: {  	_ = 	snop;
	(pc) =	sbr.ind lr, $3  }
0x3a: {  	_ = 	snop  }
0x3b: {  	_ = 	snop  }
0x3c: {  	p2 =	seq.s32 s10, $0x1;
	s10 =	sld [smem:$0x3F7B]  }
0x3d: {  	_ =	shalt  }
0x3e: {  	_ =	shalt  }
0x3f: {  	_ =	shalt  }
0x40: {  	_ =	shalt  }
0x41: {  	_ =	shalt  }
0x42: {  	_ =	shalt  }
0x43: {  	_ =	shalt  }
0x44: {  	_ =	shalt  }
0x45: {  	_ =	shalt  }
0x46: {  	_ =	shalt  }
0x47: {  	_ =	shalt  }
0x48: {  	_ =	shalt  }
0x49: {  	_ =	shalt  }
0x4a: {  	_ =	shalt  }
0x4b: {  	_ =	shalt  }
0x4c: {  	_ =	shalt  }
0x4d: {  	_ =	shalt  }
0x4e: {  	_ =	shalt  }
0x4f: {  	_ =	shalt  }
0x50: {  	_ =	shalt  }
0x51: {  	_ =	shalt  }
0x52: {  	_ =	shalt  }
0x53: {  	_ =	shalt  }
0x54: {  	_ =	shalt  }
0x55: {  	_ =	shalt  }
0x56: {  	_ =	shalt  }
0x57: {  	_ =	shalt  }
0x58: {  	_ =	shalt  }
0x59: {  	_ =	shalt  }
0x5a: {  	_ =	shalt  }
0x5b: {  	_ =	shalt  }
0x5c: {  	_ =	shalt  }
0x5d: {  	_ =	shalt  }
0x5e: {  	_ =	shalt  }
0x5f: {  	_ =	shalt  }
0x60: {  	_ =	shalt  }
0x61: {  	_ =	shalt  }
0x62: {  	_ =	shalt  }
0x63: {  	_ =	shalt  }
0x64: {  	_ =	shalt  }
0x65: {  	_ =	shalt  }
0x66: {  	_ =	shalt  }
0x67: {  	_ =	shalt  }
0x68: {  	_ =	shalt  }
0x69: {  	_ =	shalt  }
0x6a: {  	_ =	shalt  }
0x6b: {  	_ =	shalt  }
0x6c: {  	_ =	shalt  }
0x6d: {  	_ =	shalt  }
0x6e: {  	_ =	shalt  }
0x6f: {  	_ =	shalt  }
0x70: {  	_ =	shalt  }
0x71: {  	_ =	shalt  }
0x72: {  	_ =	shalt  }
0x73: {  	_ =	shalt  }
0x74: {  	_ =	shalt  }
0x75: {  	_ =	shalt  }
0x76: {  	_ =	shalt  }
0x77: {  	_ =	shalt  }
0x78: {  	_ =	shalt  }
0x79: {  	_ =	shalt  }
0x7a: {  	_ =	shalt  }
0x7b: {  	_ =	shalt  }
0x7c: {  	_ =	shalt  }
0x7d: {  	_ =	shalt  }
0x7e: {  	_ =	shalt  }
0x7f: {  	_ =	shalt  }
0x80: {  	_ =	shalt  }
0x81: {  	_ =	shalt  }
0x82: {  	_ =	shalt  }
0x83: {  	_ =	shalt  }
0x84: {  	_ =	shalt  }
0x85: {  	_ =	shalt  }
0x86: {  	_ =	shalt  }
0x87: {  	_ =	shalt  }
.Lfunc_end0:
.L_simem_size_0:
called_computation.3_lowered:
.L_overlay_start_0:
0x88: {  	s2 =	sld [smem:$0x3FD9]  }
0x89: {  	s3 =	sld [smem:$0x3FFE];
	_ =	sdelay $0x1  }
0x8a: {  	s1 =	srdreg.scid  }
0x8b: {  	s0 =	sand.u32 $0x1, s1  }
0x8c: {  	s14 =	sshll.u32 s0, $0xA;
	s2 =	sadd.s32 s3, s2  }
0x8d: {  	s2 =	sadd.s32 s2, s14  }
0x8e: {  	[smem:$0x3F87] =	sst s2  }
0x8f: {  	_ = 	snop  }
0x90: {  	s2 =	sld [smem:$0x3FD0];
	_ =	sdelay $0x2  }
0x91: {  	s15 =	simm.s32 $0xB;
	s4 =	simm.s32 $0x10  }
0x92: {  	[smem:s4], [sflag:s15] =	dma.local [hbm:s2], $0x1  }
0x93: {  	_ =	swait.eq [sflag:s15], $0x1  }
0x94: {  	[sflag:s15] =	ssyncset.done $0x0  }
0x95: {  	s16 =	sld [smem:$0x10];
	[sflag:s15] =	ssyncadd.s32 $0xFFFFFFFF  }
0x96: {  	s17 =	sld [smem:$0x11];
	(tm) =	ssettm $0x1  }
0x97: {  	s18 =	sld [smem:$0x3FFB];
	_ =	sdelay $0x3  }
0x98: {  	_ =	strace s18  }
0x99: {  	s4 =	sld [smem:$0x3FFC];
	_ =	sdelay $0x3  }
0x9a: {  	_ =	strace s4  }
0x9b: {  	s4 =	sld [smem:$0x3FFD];
	_ =	sdelay $0x3  }
0x9c: {  	_ =	strace s4  }
0x9d: {  	_ =	strace $0x8FFFFFFF  }
0x9e: {  	s19 =	sld [smem:$0x3FDB];
	_ =	sdelay $0x1  }
0x9f: {  	s5 =	simm.s32 $_scs_section_size  }
0xa0: {  	s6 =	simm.s32 $_size__tile_overlayer_lowered;
	s7 =	simm.s32 $_tile_overlayer_lowered  }
0xa1: {  	s22 =	simm.s32 $0x1BFF;
	s21 =	sshll.u32 s7, $0x1;
	s4 =	sadd.s32 s5, s19  }
0xa2: {  	s8 =	simm.s32 $0x0;
	s20 =	sshll.u32 s6, $0x1;
	s6 =	sadd.s32 s21, s4  }
0xa3: {  	[timem:s8], [sflag:s22] =	dma.local [hbm:s6], s20  }
0xa4: {  	_ =	swait.ge [sflag:s22], s20  }
0xa5: {  	s5 =	ssub.s32 $0x0, s20;
	[sflag:s22] =	ssyncset.done $0x0  }
0xa6: {  	[sflag:s22] =	ssyncadd.s32 s5;
	_ =	sdelay $0x1  }
0xa7: {  	s23 =	simm.s32 $0x1B8B  }
0xa8: {  	_ =	swait.ge [sflag:s23], $0x1  }
0xa9: {  	[sflag:s23] =	ssyncset.done $0x0  }
0xaa: {  	s25 =	simm.s32 $0x1B8E;
	s24 =	sld [smem:$0x3FFE];
	[sflag:s23] =	ssyncadd.s32 $0xFFFFFFFF  }
0xab: {  	s26 =	simm.s32 $execute0_lowered;
	[smem:$0x3FD2] =	sst s25  }
0xac: {  	s6 =	sshll.u32 s26, $0x1;
	_ =	strace $0x80000049;
	[dreg:$0x1] =	wrdreg $0xFFFFFFFF  }
0xad: {  	s28 =	simm.s32 $_size_execute0_lowered;
	s4 =	sadd.s32 s4, s6;
	[dreg:$0x0] =	wrdreg $0x0  }
0xae: {  	s6 =	sshll.u32 s28, $0x1;
	[dreg:$0x2] =	wrdreg s4  }
0xaf: {  	[dreg:$0x3] =	wrdreg s6  }
0xb0: {  	[dreg:$0x4] =	wrdreg $0xC0  }
0xb1: {  	_ =	task [dreg:s8], $0x5FFFF  }
0xb2: {  	[dreg:$0x1] =	wrdreg $0xFFFFFFFF  }
0xb3: {  	[dreg:$0x0] =	wrdreg $0x60  }
0xb4: {  	[dreg:$0x2] =	wrdreg s24  }
0xb5: {  	[dreg:$0x3] =	wrdreg s17  }
0xb6: {  	[dreg:$0x4] =	wrdreg s16  }
0xb7: {  	[dreg:$0x5] =	wrdreg $0x9  }
0xb8: {  	_ =	task.clear_ibuf [dreg:s8], $0x6FFFF;
	_ =	strace $0x90000049  }
0xb9: {  	s29 =	simm.s32 $0x9;
	_ =	strace $0x8000004B  }
0xba: {  	_ =	swait.ge [sflag:s29], $0x1  }
0xbb: {  	[sflag:s29] =	ssyncadd.s32 $0xFFFFFFFF  }
0xbc: {  	_ =	strace $0x9000004B  }
0xbd: {  	_ =	sfence  }
0xbe: {  	s30 =	sld [smem:$0x0];
	_ =	sdelay $0x2  }
0xbf: {  	s31 =	sshll.u32 s1, $0xD;
	s1 =	sshrl.u32 s1, $0x2  }
0xc0: {  	s3 =	sand.u32 $0x4000, s31;
	s1 =	sadd.s32 s1, s30  }
0xc1: {  	s0 =	sor.u32 s3, s0;
	s1 =	sshll.u32 s1, $0x11  }
0xc2: {  	s0 =	sor.u32 s1, s0  }
0xc3: {  	s0 =	sadd.s32 $0x8F2B, s0  }
0xc4: {  	[sflag:s0] =	ssyncadd.remote.s32 $0x1  }
0xc5: {  	_ =	sfence.sel $0xFFFF  }
0xc6: {  	[dreg:$0x0] =	wrdreg $0xFFFFFFFF;
	(pc) =	sbr.abs _section_cstart, $3  }
0xc7: {  	[dreg:$0x1] =	wrdreg $0xFFFFFFFF  }
0xc8: {  	_ =	task.clear_ibuf [dreg:s8], $0x2FFFF;
	_ =	strace $0x9FFFFFFF  }
0xc9: {  	(tm) =	ssettm $0x7FFFFFFF  }
tec
execute0_lowered:
.L_overlay_start_1:
0x0: {  	(tag) =	ssettag $0x1  }
0x1: {  	s7 =	rddreg [dreg:$0x0]  }
0x2: {  	s2 =	rddreg [dreg:$0x1]  }
0x3: {  	s3 =	rddreg [dreg:$0x2]  }
0x4: {  	s0 =	rddreg [dreg:$0x3];
	s1 =	srdreg.scid;
	_ =	strace $0x8000004A  }
0x5: {  	s4 =	simm.s32 $0x1;
	s9 =	simm.s32 $0x3;
	s5 =	sshll.u32 s1, $0x4  }
.Ltmp0:
0x6: {  	s1 =	stileid.u32;
	s5 =	sand.u32 $0x10, s5;
	(pc) =	sbr.rel .LBB2_1-.Ltmp0, $4  }
0x7: {  	s12 =	simm.s32 $0x0;
	s10 =	simm.s32 $0x0;
	s6 =	sor.u32 s1, s5  }
0x8: {  	[sflag:s4] =	ssyncpa.u1 $0x0;
	s5 =	simm.s32 $0x2;
	s6 =	sshll.u32 s6, $0x7  }
0x9: {  	s7 =	sadd.s32 $0x138800, s7;
	[sflag:s5] =	ssyncpa.u1 $0x0;
	s8 =	sadd.s32 $0x80, s6  }
0xa: {  	vm0 =	vmmov $0xff;
	vm1 =	vcmask $0x3F20;
	[sflag:s9] =	ssyncpa.u1 $0x0;
	s9 =	simm.s32 $0x80;
	s11 =	smov.u32 s6  }
.LBB2_9:
0xb: {  	p0 =	seq.s32 s10, $0x2  }
.Ltmp1:
0xc: {  	_ = 	snop;
	(pc) =	sbr.rel @p0 .LBB2_11-.Ltmp1, $1  }
0xd: {  	_ =	sdelay $0x3  }
.LBB2_10:
0xe: {  	s12 =	sadd.s32 $0x80, s11  }
0xf: {  	s13 =	smov.u32 s6;
	p0 =	slt.s32 s12, s8  }
0x10: {  	s13 =	smov.u32 @p0 s12  }
0x11: {  	s10 =	sadd.s32 $0x1, s10;
	s12 =	smov.u32 s11;
	s11 =	smov.u32 s13  }
.LBB2_1:
0x12: {  	p0 =	sne.s32 s10, $0x0  }
.Ltmp2:
0x13: {  	_ = 	snop;
	(pc) =	sbr.rel @!p0 .LBB2_2-.Ltmp2, $1  }
0x14: {  	_ =	sdelay $0x3  }
0x15: {  	s13 =	sand.u32 $0x1, s10  }
0x16: {  	p0 =	seq.s32 s13, $0x0  }
.Ltmp3:
0x17: {  	_ = 	snop;
	(pc) =	sbr.rel @p0 .LBB2_9-.Ltmp3, $1  }
0x18: {  	_ =	sdelay $0x3  }
0x19: {  	_ =	swait.ge [sflag:s5], $0x80  }
0x1a: {  	[sflag:s5] =	ssyncset.done $0x0  }
0x1b: {  	s13 =	simm.s32 $0x0;
	[sflag:s5] =	ssyncadd.s32 $0xFFFFFF80  }
0x1c: {  	v0 =	vld.msk [tilespmem:s13+$0x80 ss:$0x1], $0xffff;
	_ =	sdelay $0x4  }
0x1d: {  	v1 =	vshll.u32 v0, $0x5  }
0x1e: {  	vm2 =	veq.s32 v0, $0x80000000;
	v0 =	vshll.u32 v0, $0x12;
	v1 =	vand.u32 $0x3FF80, v1  }
0x1f: {  	v0 =	vand.u32 $0xC0000, v0;
	v1 =	vsel vm2, $0xFFFFFF80, v1  }
0x20: {  	v0 =	vsel vm2, $0xFFFC0000, v0;
	v2 =	vand.u32 $0xFFFFFC00, v1  }
0x21: {  	v1 =	vand.u32 $0x380, v1;
	v0 =	vadd.s32 v0, v2  }
0x22: {  	v0 =	vor.u32 v1, v0  }
0x23: {  	v0 =	vshrl.u32 v0, $0x3;
	_ =	sdelay $0x3  }
0x24: {  	s13 =	simm.s32 $0x4100  }
0x25: {  	[tilespmem:s13], [sflag:$0x1] =	stream.indirect_vreg.gather [hbm:s7], $0x80, v0, vm0, $0x38;
	[tilespmem:$0x8100] =	vst v63  }
0x26: {  	s14 =	simm.s32 $0x4500;
	s31 =	simm.s32 $0x10  }
0x27: {  	[tilespmem:s14], [sflag:$0x1] =	stream.indirect_vreg.gather [hbm:s7], $0x80, v0, vm1, $0x38;
	[tilespmem:$0x8100] =	vst v63  }
0x28: {  	s14 =	simm.s32 $0x80;
	v0 =	vld.msk [tilespmem:s31+$0x80 ss:$0x1], $0xffff  }
.LBB2_5:
0x29: {  	p0 =	sne.s32 s14, $0x1C0;
	_ =	sdelay $0x4  }
0x2a: {  	v1 =	vshll.u32 v0, $0x5  }
0x2b: {  	vm2 =	veq.s32 v0, $0x80000000;
	v0 =	vshll.u32 v0, $0x12;
	v1 =	vand.u32 $0x3FF80, v1  }
0x2c: {  	v0 =	vand.u32 $0xC0000, v0;
	v1 =	vsel vm2, $0xFFFFFF80, v1  }
0x2d: {  	v0 =	vsel vm2, $0xFFFC0000, v0;
	v2 =	vand.u32 $0xFFFFFC00, v1  }
0x2e: {  	v1 =	vand.u32 $0x380, v1;
	v0 =	vadd.s32 v0, v2  }
0x2f: {  	v0 =	vor.u32 v1, v0  }
0x30: {  	v0 =	vshrl.u32 v0, $0x3;
	_ =	sdelay $0x3  }
.Ltmp4:
0x31: {  	s13 =	sadd.s32 $0x800, s13;
	(pc) =	sbr.rel @p0 .LBB2_5-.Ltmp4, $4  }
0x32: {  	[tilespmem:s13], [sflag:$0x1] =	stream.indirect_vreg.gather [hbm:s7], $0x80, v0, vm0, $0x38;
	[tilespmem:$0x8100] =	vst v63  }
0x33: {  	s15 =	sshra.s32 s14, $0x2;
	s16 =	sadd.s32 $0x400, s13  }
0x34: {  	[tilespmem:s16], [sflag:$0x1] =	stream.indirect_vreg.gather [hbm:s7], $0x80, v0, vm1, $0x38;
	[tilespmem:$0x8100] =	vst v63  }
0x35: {  	s14 =	sadd.s32 $0x40, s14;
	v0 =	vld.msk [tilespmem:s15+$0x80 ss:$0x1], $0xffff  }
0x36: {  	_ =	sdelay $0x3  }
0x37: {  	v1 =	vshll.u32 v0, $0x5  }
0x38: {  	vm2 =	veq.s32 v0, $0x80000000;
	v63 =	vshll.u32 v0, $0x12;
	v1 =	vand.u32 $0x3FF80, v1  }
0x39: {  	v0 =	vand.u32 $0xC0000, v63;
	v1 =	vsel vm2, $0xFFFFFF80, v1  }
0x3a: {  	v0 =	vsel vm2, $0xFFFC0000, v0;
	v2 =	vand.u32 $0xFFFFFC00, v1  }
0x3b: {  	v1 =	vand.u32 $0x380, v1;
	v0 =	vadd.s32 v0, v2  }
0x3c: {  	v0 =	vor.u32 v1, v0  }
0x3d: {  	v0 =	vshrl.u32 v0, $0x3;
	_ =	sdelay $0x3  }
0x3e: {  	s13 =	sadd.s32 $0x800, s13  }
0x3f: {  	[tilespmem:s13], [sflag:$0x1] =	stream.indirect_vreg.gather [hbm:s7], $0x80, v0, vm0, $0x38;
	[tilespmem:$0x8100] =	vst v63  }
0x40: {  	s13 =	sadd.s32 $0x400, s13  }
0x41: {  	[tilespmem:s13], [sflag:$0x1] =	stream.indirect_vreg.gather [hbm:s7], $0x80, v0, vm1, $0x38;
	[tilespmem:$0x8100] =	vst v63  }
0x42: {  	s12 =	sshll.u32 s12, $0x4;
	s14 =	simm.s32 $0x80;
	_ =	swait.ge [sflag:s4], $0x4000  }
0x43: {  	s15 =	simm.s32 $0x4500;
	s12 =	sadd.s32 s12, s3;
	[sflag:s4] =	ssyncset.done $0x0  }
0x44: {  	s16 =	sadd.s32 $0x0, s12;
	s13 =	simm.s32 $0x4100;
	[sflag:s4] =	ssyncadd.s32 $0xFFFFC000  }
.LBB2_7:
0x45: {  	[hbm:s16] =	stream.linear.scatter [tilespmem:s13], [sflag:$0x3], $0x400, $0x38;
	[tilespmem:$0x8100] =	vst v63  }
0x46: {  	s16 =	smov.u32 s14;
	s13 =	smov.u32 s15;
	p0 =	sne.s32 s14, $0x780  }
.Ltmp5:
0x47: {  	s14 =	sadd.s32 $0x80, s14;
	(pc) =	sbr.rel @p0 .LBB2_7-.Ltmp5, $2  }
0x48: {  	_ =	sdelay $0x2  }
0x49: {  	s15 =	sadd.s32 $0x400, s15;
	s16 =	sadd.s32 s16, s12  }
.Ltmp6:
0x4a: {  	(pc) =	sbr.rel .LBB2_9-.Ltmp6, $2  }
0x4b: {  	_ =	sdelay $0x2  }
0x4c: {  	[hbm:s16] =	stream.linear.scatter [tilespmem:s13], [sflag:$0x3], $0x400, $0x38;
	[tilespmem:$0x8100] =	vst v63  }
.LBB2_2:
.Ltmp7:
0x4d: {  	(pc) =	sbr.rel .LBB2_10-.Ltmp7, $4  }
0x4e: {  	_ = 	snop  }
0x4f: {  	s12 =	sshrl.u32 s11, $0x3  }
0x50: {  	s13 =	sand.u32 $0x7, s11;
	s12 =	sadd.s32 s2, s12  }
0x51: {  	[tilespmem:s9], [sflag:$0x2] =	stream.linear.gather [hbm4b:s12+s13], $0x80, $0x38;
	[tilespmem:$0x8100] =	vst v63  }
.LBB2_11:
0x52: {  	s2 =	simm.s32 $0x3  }
0x53: {  	_ =	swait.ge [sflag:s2], $0x4000  }
0x54: {  	[sflag:s2] =	ssyncset.done $0x0  }
0x55: {  	[sflag:s2] =	ssyncadd.s32 $0xFFFFC000  }
0x56: {  	_ =	sfence.sel $0x180000  }
0x57: {  	s3 =	simm.s32 $0x2;
	[bflag:$0x0] =	sbarrier.arrive $0xFFFF  }
0x58: {  	[sflag:s3] =	ssyncpa.u1 $0x1  }
0x59: {  	s31 =	simm.s32 $0x1;
	[sflag:s2] =	ssyncpa.u1 $0x1  }
0x5a: {  	[sflag:s31] =	ssyncpa.u1 $0x1  }
0x5b: {  	p0 =	sne.s32 s1, $0x0;
	_ =	strace $0x9000004A  }
0x5c: {  	s0 =	sadd.s32 @!p0 $0x100000, s0;
	[bflag:$0x2] =	sbarrier.arrive $0xFFFF  }
0x5d: {  	[sflag:s0] =	ssyncadd.tile.s32 @!p0 $0x1;
	_ =	shalt  }
.Lfunc_end2:
_tile_overlayer_lowered:
.L_overlay_start_2:
0x5e: {  	(tag) =	ssettag $0x2  }
0x5f: {  	s0 =	rddreg [dreg:$0x0];
	s2 =	stileid.u32  }
0x60: {  	s1 =	rddreg [dreg:$0x1];
	p0 =	sne.s32 s2, $0x0  }
0x61: {  	s3 =	rddreg [dreg:$0x2];
	[bflag:$0x3] =	sbarrier.arrive $0xFFFF;
	s2 =	simm.s32 @!p0 $0x1C01  }
0x62: {  	[timem:s3], [sflag:s2] =	dma.local @!p0 [hbm:s0], s1  }
0x63: {  	s0 =	simm.s32 @!p0 $0x1  }
0x64: {  	_ =	swait.ge @!p0 [sflag:s0], s1  }
0x65: {  	s1 =	ssub.s32 @!p0 $0x0, s1;
	[sflag:s0] =	ssyncset.done @!p0 $0x0  }
0x66: {  	[sflag:s0] =	ssyncadd.s32 @!p0 s1  }
0x67: {  	[bflag:$0x3] =	sbarrier.arrive $0xFFFF  }
0x68: {  	_ =	shalt  }

// kernel: gather_offload_async_start.2
scs
__scs_entry_jumppad:
0x0: {  	(pc) =	sbr.rel $0x88, $3  }
0x1: {  	(tag) =	ssettag $0x0;
	lr =	simm.s32 $0x1  }
0x2: {  	[smem:$0x3F60] =	sst lr;
	_ =	strace $0xD0000000  }
0x3: {  	_ = 	snop  }
0x4: {  	_ = 	snop  }
0x5: {  	_ = 	snop  }
0x6: {  	_ = 	snop  }
0x7: {  	_ = 	snop  }
__scs_overlays_trampoline_lowered:
0x8: {  	[smem:$0x3F6F] =	sst s0  }
0x9: {  	[smem:$0x3F70] =	sst s1  }
0xa: {  	[smem:$0x3F71] =	sst s2  }
0xb: {  	[smem:$0x3F72] =	sst s3  }
0xc: {  	[smem:$0x3F73] =	sst s4  }
0xd: {  	[smem:$0x3F74] =	sst s5  }
0xe: {  	[smem:$0x3F75] =	sst s6  }
0xf: {  	[smem:$0x3F76] =	sst s7  }
0x10: {  	[smem:$0x3F77] =	sst s8  }
0x11: {  	[smem:$0x3F78] =	sst s9;
	s0 =	simm.s32 @!p0 $0x0  }
0x12: {  	s1 =	sld [smem:$0x3F5E];
	s0 =	simm.s32 @p0 $0x1  }
0x13: {  	[smem:$0x3F79] =	sst s0;
	s0 =	simm.s32 @!p1 $0x0  }
0x14: {  	s2 =	sld [smem:$0x3F5D];
	s0 =	simm.s32 @p1 $0x1  }
0x15: {  	[smem:$0x3F7A] =	sst s0;
	s0 =	simm.s32 @!p2 $0x0  }
0x16: {  	s3 =	sld [smem:$0x3FDB];
	s0 =	simm.s32 @p2 $0x1  }
0x17: {  	s4 =	simm.s32 $0x1BF5;
	[smem:$0x3F7C] =	sst s0  }
0x18: {  	s0 =	sld [smem:$0x3F5F];
	_ =	swait.ge [sflag:s4], $0x0  }
0x19: {  	s7 =	sld [smem:$0x3F60]  }
0x1a: {  	s8 =	sadd.s32 $0xFFFFE003, lr  }
0x1b: {  	s9 =	sadd.s32 $0xFFFFFEF7, lr;
	s5 =	simm.s32 $0xFFFFFFFF;
	p2 =	slt.u32 s8, $0xFFFFF086  }
0x1c: {  	p1 =	slt.u32 s9, $0xF7A;
	s5 =	simm.s32 @!p2 $0x0  }
0x1d: {  	s5 =	simm.s32 @p1 $0x1;
	p0 =	seq.s32 s7, s2  }
0x1e: {  	s7 =	smul.u32 @!p0 $0xF7A, s2;
	p2 =	seq.s32 @!p0 s5, $0x0  }
0x1f: {  	s9 =	smul.u32 $0xF7A, s1;
	s8 =	simm.s32 @!p0 $0x1BF5;
	p2 =	por !p2, p0  }
0x20: {  	[sflag:s8] =	ssyncset.s32 @!p0 $0xFFFFF086;
	s6 =	sadd.s32 @!p0 s3, s7;
	s7 =	simm.s32 @!p0 $0x108  }
0x21: {  	s3 =	sadd.s32 s3, s9;
	s6 =	sadd.s32 @!p0 $0x88, s6;
	s7 =	simm.s32 @p2 $0x1082  }
0x22: {  	[simem:s7], [sflag:s8] =	dma.local @!p0 [hbm:s6], $0xF7A  }
0x23: {  	s9 =	sor.u32 $0xD0000000, s2;
	s6 =	simm.s32 $0x108;
	_ =	swait.ge @!p0 [sflag:s8], $0x0  }
0x24: {  	s3 =	sadd.s32 $0x88, s3;
	s6 =	simm.s32 @!p1 $0x1082;
	[sflag:s4] =	ssyncset.s32 $0xFFFFF086  }
0x25: {  	[simem:s6], [sflag:s4] =	dma.local [hbm:s3], $0xF7A  }
0x26: {  	[smem:$0x3F60] =	sst s1;
	(tag) =	ssettag s2;
	_ =	strace s9  }
0x27: {  	s1 =	sld [smem:$0x3F70]  }
0x28: {  	s2 =	sld [smem:$0x3F71]  }
0x29: {  	s4 =	sld [smem:$0x3F73]  }
0x2a: {  	p0 =	seq.s32 s5, $0x0;
	s5 =	sld [smem:$0x3F74]  }
0x2b: {  	s6 =	sld [smem:$0x3F75]  }
0x2c: {  	s7 =	sld [smem:$0x3F76]  }
0x2d: {  	s3 =	simm.s32 $0x108;
	s8 =	sld [smem:$0x3F77]  }
0x2e: {  	s3 =	simm.s32 @!p0 $0x1082;
	s9 =	sld [smem:$0x3F78]  }
0x2f: {  	lr =	sadd.s32 s0, s3;
	s0 =	sld [smem:$0x3F6F]  }
0x30: {  	s3 =	sld [smem:$0x3F72]  }
0x31: {  	[smem:$0x3F7B] =	sst s10  }
0x32: {  	s10 =	sld [smem:$0x3F79];
	_ =	sdelay $0x3  }
0x33: {  	p0 =	seq.s32 s10, $0x1;
	s10 =	sld [smem:$0x3F7B];
	_ =	sdelay $0x3  }
0x34: {  	[smem:$0x3F7B] =	sst s10  }
0x35: {  	s10 =	sld [smem:$0x3F7A];
	_ =	sdelay $0x3  }
0x36: {  	p1 =	seq.s32 s10, $0x1;
	s10 =	sld [smem:$0x3F7B];
	_ =	sdelay $0x3  }
0x37: {  	[smem:$0x3F7B] =	sst s10  }
0x38: {  	s10 =	sld [smem:$0x3F7C]  }
0x39: {  	_ = 	snop;
	(pc) =	sbr.ind lr, $3  }
0x3a: {  	_ = 	snop  }
0x3b: {  	_ = 	snop  }
0x3c: {  	p2 =	seq.s32 s10, $0x1;
	s10 =	sld [smem:$0x3F7B]  }
0x3d: {  	_ =	shalt  }
0x3e: {  	_ =	shalt  }
0x3f: {  	_ =	shalt  }
0x40: {  	_ =	shalt  }
0x41: {  	_ =	shalt  }
0x42: {  	_ =	shalt  }
0x43: {  	_ =	shalt  }
0x44: {  	_ =	shalt  }
0x45: {  	_ =	shalt  }
0x46: {  	_ =	shalt  }
0x47: {  	_ =	shalt  }
0x48: {  	_ =	shalt  }
0x49: {  	_ =	shalt  }
0x4a: {  	_ =	shalt  }
0x4b: {  	_ =	shalt  }
0x4c: {  	_ =	shalt  }
0x4d: {  	_ =	shalt  }
0x4e: {  	_ =	shalt  }
0x4f: {  	_ =	shalt  }
0x50: {  	_ =	shalt  }
0x51: {  	_ =	shalt  }
0x52: {  	_ =	shalt  }
0x53: {  	_ =	shalt  }
0x54: {  	_ =	shalt  }
0x55: {  	_ =	shalt  }
0x56: {  	_ =	shalt  }
0x57: {  	_ =	shalt  }
0x58: {  	_ =	shalt  }
0x59: {  	_ =	shalt  }
0x5a: {  	_ =	shalt  }
0x5b: {  	_ =	shalt  }
0x5c: {  	_ =	shalt  }
0x5d: {  	_ =	shalt  }
0x5e: {  	_ =	shalt  }
0x5f: {  	_ =	shalt  }
0x60: {  	_ =	shalt  }
0x61: {  	_ =	shalt  }
0x62: {  	_ =	shalt  }
0x63: {  	_ =	shalt  }
0x64: {  	_ =	shalt  }
0x65: {  	_ =	shalt  }
0x66: {  	_ =	shalt  }
0x67: {  	_ =	shalt  }
0x68: {  	_ =	shalt  }
0x69: {  	_ =	shalt  }
0x6a: {  	_ =	shalt  }
0x6b: {  	_ =	shalt  }
0x6c: {  	_ =	shalt  }
0x6d: {  	_ =	shalt  }
0x6e: {  	_ =	shalt  }
0x6f: {  	_ =	shalt  }
0x70: {  	_ =	shalt  }
0x71: {  	_ =	shalt  }
0x72: {  	_ =	shalt  }
0x73: {  	_ =	shalt  }
0x74: {  	_ =	shalt  }
0x75: {  	_ =	shalt  }
0x76: {  	_ =	shalt  }
0x77: {  	_ =	shalt  }
0x78: {  	_ =	shalt  }
0x79: {  	_ =	shalt  }
0x7a: {  	_ =	shalt  }
0x7b: {  	_ =	shalt  }
0x7c: {  	_ =	shalt  }
0x7d: {  	_ =	shalt  }
0x7e: {  	_ =	shalt  }
0x7f: {  	_ =	shalt  }
0x80: {  	_ =	shalt  }
0x81: {  	_ =	shalt  }
0x82: {  	_ =	shalt  }
0x83: {  	_ =	shalt  }
0x84: {  	_ =	shalt  }
0x85: {  	_ =	shalt  }
0x86: {  	_ =	shalt  }
0x87: {  	_ =	shalt  }
.Lfunc_end0:
.L_simem_size_0:
called_computation.4_lowered:
.L_overlay_start_0:
0x88: {  	s2 =	sld [smem:$0x3FD9]  }
0x89: {  	s3 =	sld [smem:$0x3FFE];
	_ =	sdelay $0x1  }
0x8a: {  	s1 =	srdreg.scid  }
0x8b: {  	s0 =	sand.u32 $0x1, s1  }
0x8c: {  	s14 =	sshll.u32 s0, $0xA;
	s2 =	sadd.s32 s3, s2  }
0x8d: {  	s2 =	sadd.s32 s2, s14  }
0x8e: {  	[smem:$0x3F87] =	sst s2  }
0x8f: {  	_ = 	snop  }
0x90: {  	s2 =	sld [smem:$0x3FD0];
	_ =	sdelay $0x2  }
0x91: {  	s15 =	simm.s32 $0xB;
	s4 =	simm.s32 $0x10  }
0x92: {  	[smem:s4], [sflag:s15] =	dma.local [hbm:s2], $0x1  }
0x93: {  	_ =	swait.eq [sflag:s15], $0x1  }
0x94: {  	[sflag:s15] =	ssyncset.done $0x0  }
0x95: {  	[sflag:s15] =	ssyncadd.s32 $0xFFFFFFFF  }
0x96: {  	s16 =	sld [smem:$0x10];
	(tm) =	ssettm $0x1  }
0x97: {  	s17 =	sld [smem:$0x3FFB];
	_ =	sdelay $0x3  }
0x98: {  	_ =	strace s17  }
0x99: {  	s3 =	sld [smem:$0x3FFC];
	_ =	sdelay $0x3  }
0x9a: {  	_ =	strace s3  }
0x9b: {  	s3 =	sld [smem:$0x3FFD];
	_ =	sdelay $0x3  }
0x9c: {  	_ =	strace s3  }
0x9d: {  	_ =	strace $0x8FFFFFFF  }
0x9e: {  	s18 =	sld [smem:$0x3FDB];
	_ =	sdelay $0x1  }
0x9f: {  	s19 =	simm.s32 $_scs_section_size  }
0xa0: {  	s5 =	simm.s32 $_size__tile_overlayer_lowered;
	s6 =	simm.s32 $_tile_overlayer_lowered  }
0xa1: {  	s22 =	simm.s32 $0x1BFF;
	s21 =	sshll.u32 s6, $0x1;
	s3 =	sadd.s32 s19, s18  }
0xa2: {  	s7 =	simm.s32 $0x0;
	s20 =	sshll.u32 s5, $0x1;
	s5 =	sadd.s32 s21, s3  }
0xa3: {  	[timem:s7], [sflag:s22] =	dma.local [hbm:s5], s20  }
0xa4: {  	_ =	swait.ge [sflag:s22], s20  }
0xa5: {  	s4 =	ssub.s32 $0x0, s20;
	[sflag:s22] =	ssyncset.done $0x0  }
0xa6: {  	[sflag:s22] =	ssyncadd.s32 s4;
	_ =	sdelay $0x1  }
0xa7: {  	s23 =	simm.s32 $0x1B8B  }
0xa8: {  	_ =	swait.ge [sflag:s23], $0x1  }
0xa9: {  	[sflag:s23] =	ssyncset.done $0x0  }
0xaa: {  	s25 =	simm.s32 $0x1B8E;
	s24 =	sld [smem:$0x3FFE];
	[sflag:s23] =	ssyncadd.s32 $0xFFFFFFFF  }
0xab: {  	s26 =	simm.s32 $execute0_lowered;
	[smem:$0x3FD2] =	sst s25  }
0xac: {  	s5 =	sshll.u32 s26, $0x1;
	_ =	strace $0x8000004C;
	[dreg:$0x1] =	wrdreg $0xFFFFFFFF  }
0xad: {  	s28 =	simm.s32 $_size_execute0_lowered;
	s3 =	sadd.s32 s3, s5;
	[dreg:$0x0] =	wrdreg $0x0  }
0xae: {  	s5 =	sshll.u32 s28, $0x1;
	[dreg:$0x2] =	wrdreg s3  }
0xaf: {  	[dreg:$0x3] =	wrdreg s5  }
0xb0: {  	[dreg:$0x4] =	wrdreg $0xC0  }
0xb1: {  	_ =	task [dreg:s7], $0x5FFFF  }
0xb2: {  	[dreg:$0x1] =	wrdreg $0xFFFFFFFF  }
0xb3: {  	[dreg:$0x0] =	wrdreg $0x60  }
0xb4: {  	[dreg:$0x2] =	wrdreg s16  }
0xb5: {  	[dreg:$0x3] =	wrdreg s24  }
0xb6: {  	[dreg:$0x4] =	wrdreg $0xA  }
0xb7: {  	_ =	task.clear_ibuf [dreg:s7], $0x5FFFF;
	_ =	strace $0x9000004C  }
0xb8: {  	s29 =	simm.s32 $0xA;
	_ =	strace $0x8000004E  }
0xb9: {  	_ =	swait.ge [sflag:s29], $0x1  }
0xba: {  	[sflag:s29] =	ssyncadd.s32 $0xFFFFFFFF  }
0xbb: {  	_ =	strace $0x9000004E  }
0xbc: {  	_ =	sfence  }
0xbd: {  	s30 =	sld [smem:$0x0];
	_ =	sdelay $0x2  }
0xbe: {  	s31 =	sshll.u32 s1, $0xD;
	s1 =	sshrl.u32 s1, $0x2  }
0xbf: {  	s3 =	sand.u32 $0x4000, s31;
	s1 =	sadd.s32 s1, s30  }
0xc0: {  	s0 =	sor.u32 s3, s0;
	s1 =	sshll.u32 s1, $0x11  }
0xc1: {  	s0 =	sor.u32 s1, s0  }
0xc2: {  	s0 =	sadd.s32 $0x8F2B, s0  }
0xc3: {  	[sflag:s0] =	ssyncadd.remote.s32 $0x1  }
0xc4: {  	_ =	sfence.sel $0xFFFF  }
0xc5: {  	[dreg:$0x0] =	wrdreg $0xFFFFFFFF;
	(pc) =	sbr.abs _section_cstart, $3  }
0xc6: {  	[dreg:$0x1] =	wrdreg $0xFFFFFFFF  }
0xc7: {  	_ =	task.clear_ibuf [dreg:s7], $0x2FFFF;
	_ =	strace $0x9FFFFFFF  }
0xc8: {  	(tm) =	ssettm $0x7FFFFFFF  }
0xc9: {  	_ =	shalt  }
tec
execute0_lowered:
.L_overlay_start_1:
0x0: {  	(tag) =	ssettag $0x1  }
0x1: {  	s2 =	rddreg [dreg:$0x0]  }
0x2: {  	s7 =	rddreg [dreg:$0x1]  }
0x3: {  	s0 =	rddreg [dreg:$0x2]  }
0x4: {  	s1 =	srdreg.scid;
	_ =	strace $0x8000004D;
	s4 =	simm.s32 $0x1  }
0x5: {  	s9 =	simm.s32 $0x3;
	s12 =	simm.s32 $0x0;
	s5 =	sshll.u32 s1, $0x4  }
.Ltmp0:
0x6: {  	s1 =	stileid.u32;
	s5 =	sand.u32 $0x10, s5;
	(pc) =	sbr.rel .LBB2_1-.Ltmp0, $4  }
0x7: {  	s10 =	simm.s32 $0x0;
	s3 =	sadd.s32 $0x10000, s7;
	s6 =	sor.u32 s1, s5  }
0x8: {  	[sflag:s4] =	ssyncpa.u1 $0x0;
	s5 =	simm.s32 $0x2;
	s6 =	sshll.u32 s6, $0x6  }
0x9: {  	s7 =	sadd.s32 $0x10200, s7;
	[sflag:s5] =	ssyncpa.u1 $0x0;
	s8 =	sadd.s32 $0x40, s6  }
0xa: {  	vm0 =	vmmov $0xff;
	vm1 =	vcmask $0x3F20;
	[sflag:s9] =	ssyncpa.u1 $0x0;
	s9 =	simm.s32 $0x40;
	s11 =	smov.u32 s6  }
.LBB2_9:
0xb: {  	p0 =	seq.s32 s10, $0x2  }
.Ltmp1:
0xc: {  	_ = 	snop;
	(pc) =	sbr.rel @p0 .LBB2_11-.Ltmp1, $1  }
0xd: {  	_ =	sdelay $0x3  }
.LBB2_10:
0xe: {  	s12 =	sadd.s32 $0x40, s11  }
0xf: {  	s13 =	smov.u32 s6;
	p0 =	slt.s32 s12, s8  }
0x10: {  	s13 =	smov.u32 @p0 s12  }
0x11: {  	s10 =	sadd.s32 $0x1, s10;
	s12 =	smov.u32 s11;
	s11 =	smov.u32 s13  }
.LBB2_1:
0x12: {  	p0 =	sne.s32 s10, $0x0  }
.Ltmp2:
0x13: {  	_ = 	snop;
	(pc) =	sbr.rel @!p0 .LBB2_2-.Ltmp2, $1  }
0x14: {  	_ =	sdelay $0x3  }
0x15: {  	s13 =	sand.u32 $0x1, s10  }
0x16: {  	p0 =	seq.s32 s13, $0x0  }
.Ltmp3:
0x17: {  	_ = 	snop;
	(pc) =	sbr.rel @p0 .LBB2_9-.Ltmp3, $1  }
0x18: {  	_ =	sdelay $0x3  }
0x19: {  	_ =	swait.ge [sflag:s5], $0x40  }
0x1a: {  	[sflag:s5] =	ssyncset.done $0x0  }
0x1b: {  	s13 =	simm.s32 $0x0;
	[sflag:s5] =	ssyncadd.s32 $0xFFFFFFC0  }
0x1c: {  	v0 =	vld.msk [tilespmem:s13+$0x40 ss:$0x1], $0xffff;
	_ =	sdelay $0x4  }
0x1d: {  	v1 =	vshll.u32 v0, $0x5  }
0x1e: {  	vm2 =	veq.s32 v0, $0x80000000;
	v0 =	vshll.u32 v0, $0x11;
	v1 =	vand.u32 $0x1FF80, v1  }
0x1f: {  	v0 =	vand.u32 $0x60000, v0;
	v1 =	vsel vm2, $0xFFFFFF80, v1  }
0x20: {  	v0 =	vsel vm2, $0xFFFE0000, v0;
	v2 =	vand.u32 $0xFFFFFC00, v1  }
0x21: {  	v1 =	vand.u32 $0x380, v1;
	v0 =	vadd.s32 v0, v2  }
0x22: {  	v0 =	vor.u32 v1, v0  }
0x23: {  	v0 =	vshrl.u32 v0, $0x3;
	_ =	sdelay $0x3  }
0x24: {  	s13 =	simm.s32 $0x2080  }
0x25: {  	[tilespmem:s13], [sflag:$0x1] =	stream.indirect_vreg.gather [hbm:s2], $0x80, v0, vm0, $0x38;
	[tilespmem:$0x4080] =	vst v63  }
0x26: {  	s14 =	simm.s32 $0x2480;
	s31 =	simm.s32 $0x10  }
0x27: {  	[tilespmem:s14], [sflag:$0x1] =	stream.indirect_vreg.gather [hbm:s2], $0x80, v0, vm1, $0x38;
	[tilespmem:$0x4080] =	vst v63  }
0x28: {  	s14 =	simm.s32 $0x80;
	v0 =	vld.msk [tilespmem:s31+$0x40 ss:$0x1], $0xffff  }
.LBB2_5:
0x29: {  	p0 =	sne.s32 s14, $0xC0;
	_ =	sdelay $0x4  }
0x2a: {  	v1 =	vshll.u32 v0, $0x5  }
0x2b: {  	vm2 =	veq.s32 v0, $0x80000000;
	v0 =	vshll.u32 v0, $0x11;
	v1 =	vand.u32 $0x1FF80, v1  }
0x2c: {  	v0 =	vand.u32 $0x60000, v0;
	v1 =	vsel vm2, $0xFFFFFF80, v1  }
0x2d: {  	v0 =	vsel vm2, $0xFFFE0000, v0;
	v2 =	vand.u32 $0xFFFFFC00, v1  }
0x2e: {  	v1 =	vand.u32 $0x380, v1;
	v0 =	vadd.s32 v0, v2  }
0x2f: {  	v0 =	vor.u32 v1, v0  }
0x30: {  	v0 =	vshrl.u32 v0, $0x3;
	_ =	sdelay $0x3  }
.Ltmp4:
0x31: {  	s13 =	sadd.s32 $0x800, s13;
	(pc) =	sbr.rel @p0 .LBB2_5-.Ltmp4, $4  }
0x32: {  	[tilespmem:s13], [sflag:$0x1] =	stream.indirect_vreg.gather [hbm:s2], $0x80, v0, vm0, $0x38;
	[tilespmem:$0x4080] =	vst v63  }
0x33: {  	s15 =	sshra.s32 s14, $0x2;
	s16 =	sadd.s32 $0x400, s13  }
0x34: {  	[tilespmem:s16], [sflag:$0x1] =	stream.indirect_vreg.gather [hbm:s2], $0x80, v0, vm1, $0x38;
	[tilespmem:$0x4080] =	vst v63  }
0x35: {  	s14 =	sadd.s32 $0x40, s14;
	v0 =	vld.msk [tilespmem:s15+$0x40 ss:$0x1], $0xffff  }
0x36: {  	_ =	sdelay $0x3  }
0x37: {  	v1 =	vshll.u32 v0, $0x5  }
0x38: {  	vm2 =	veq.s32 v0, $0x80000000;
	v63 =	vshll.u32 v0, $0x11;
	v1 =	vand.u32 $0x1FF80, v1  }
0x39: {  	v0 =	vand.u32 $0x60000, v63;
	v1 =	vsel vm2, $0xFFFFFF80, v1  }
0x3a: {  	v0 =	vsel vm2, $0xFFFE0000, v0;
	v2 =	vand.u32 $0xFFFFFC00, v1  }
0x3b: {  	v1 =	vand.u32 $0x380, v1;
	v0 =	vadd.s32 v0, v2  }
0x3c: {  	v0 =	vor.u32 v1, v0  }
0x3d: {  	v0 =	vshrl.u32 v0, $0x3;
	_ =	sdelay $0x3  }
0x3e: {  	s13 =	sadd.s32 $0x800, s13  }
0x3f: {  	[tilespmem:s13], [sflag:$0x1] =	stream.indirect_vreg.gather [hbm:s2], $0x80, v0, vm0, $0x38;
	[tilespmem:$0x4080] =	vst v63  }
0x40: {  	s13 =	sadd.s32 $0x400, s13  }
0x41: {  	[tilespmem:s13], [sflag:$0x1] =	stream.indirect_vreg.gather [hbm:s2], $0x80, v0, vm1, $0x38;
	[tilespmem:$0x4080] =	vst v63  }
0x42: {  	s12 =	sshll.u32 s12, $0x4;
	s14 =	simm.s32 $0x80;
	_ =	swait.ge [sflag:s4], $0x2000  }
0x43: {  	s15 =	simm.s32 $0x2480;
	s12 =	sadd.s32 s12, s7;
	[sflag:s4] =	ssyncset.done $0x0  }
0x44: {  	s16 =	sadd.s32 $0x0, s12;
	s13 =	simm.s32 $0x2080;
	[sflag:s4] =	ssyncadd.s32 $0xFFFFE000  }
.LBB2_7:
0x45: {  	[hbm:s16] =	stream.linear.scatter [tilespmem:s13], [sflag:$0x3], $0x400, $0x38;
	[tilespmem:$0x4080] =	vst v63  }
0x46: {  	s16 =	smov.u32 s14;
	s13 =	smov.u32 s15;
	p0 =	sne.s32 s14, $0x380  }
.Ltmp5:
0x47: {  	s14 =	sadd.s32 $0x80, s14;
	(pc) =	sbr.rel @p0 .LBB2_7-.Ltmp5, $2  }
0x48: {  	_ =	sdelay $0x2  }
0x49: {  	s15 =	sadd.s32 $0x400, s15;
	s16 =	sadd.s32 s16, s12  }
.Ltmp6:
0x4a: {  	(pc) =	sbr.rel .LBB2_9-.Ltmp6, $2  }
0x4b: {  	_ =	sdelay $0x2  }
0x4c: {  	[hbm:s16] =	stream.linear.scatter [tilespmem:s13], [sflag:$0x3], $0x400, $0x38;
	[tilespmem:$0x4080] =	vst v63  }
.LBB2_2:
.Ltmp7:
0x4d: {  	(pc) =	sbr.rel .LBB2_10-.Ltmp7, $4  }
0x4e: {  	_ = 	snop  }
0x4f: {  	s12 =	sshrl.u32 s11, $0x3  }
0x50: {  	s13 =	sand.u32 $0x7, s11;
	s12 =	sadd.s32 s3, s12  }
0x51: {  	[tilespmem:s9], [sflag:$0x2] =	stream.linear.gather [hbm4b:s12+s13], $0x40, $0x38;
	[tilespmem:$0x4080] =	vst v63  }
.LBB2_11:
0x52: {  	s2 =	simm.s32 $0x3  }
0x53: {  	_ =	swait.ge [sflag:s2], $0x2000  }
0x54: {  	[sflag:s2] =	ssyncset.done $0x0  }
0x55: {  	[sflag:s2] =	ssyncadd.s32 $0xFFFFE000  }
0x56: {  	_ =	sfence.sel $0x180000  }
0x57: {  	s3 =	simm.s32 $0x2;
	[bflag:$0x0] =	sbarrier.arrive $0xFFFF  }
0x58: {  	[sflag:s3] =	ssyncpa.u1 $0x1  }
0x59: {  	s31 =	simm.s32 $0x1;
	[sflag:s2] =	ssyncpa.u1 $0x1  }
0x5a: {  	[sflag:s31] =	ssyncpa.u1 $0x1  }
0x5b: {  	p0 =	sne.s32 s1, $0x0;
	_ =	strace $0x9000004D  }
0x5c: {  	s0 =	sadd.s32 @!p0 $0x100000, s0;
	[bflag:$0x2] =	sbarrier.arrive $0xFFFF  }
0x5d: {  	[sflag:s0] =	ssyncadd.tile.s32 @!p0 $0x1;
	_ =	shalt  }
.Lfunc_end2:
_tile_overlayer_lowered:
.L_overlay_start_2:
0x5e: {  	(tag) =	ssettag $0x2  }
0x5f: {  	s0 =	rddreg [dreg:$0x0];
	s2 =	stileid.u32  }
0x60: {  	s1 =	rddreg [dreg:$0x1];
	p0 =	sne.s32 s2, $0x0  }
0x61: {  	s3 =	rddreg [dreg:$0x2];
	[bflag:$0x3] =	sbarrier.arrive $0xFFFF;
	s2 =	simm.s32 @!p0 $0x1C01  }
0x62: {  	[timem:s3], [sflag:s2] =	dma.local @!p0 [hbm:s0], s1  }
0x63: {  	s0 =	simm.s32 @!p0 $0x1  }
0x64: {  	_ =	swait.ge @!p0 [sflag:s0], s1  }
0x65: {  	s1 =	ssub.s32 @!p0 $0x0, s1;
	[sflag:s0] =	ssyncset.done @!p0 $0x0  }
0x66: {  	[sflag:s0] =	ssyncadd.s32 @!p0 s1  }
0x67: {  	[bflag:$0x3] =	sbarrier.arrive $0xFFFF  }
0x68: {  	_ =	shalt  }

// kernel: gather_offload_async_start
scs
__scs_entry_jumppad:
0x0: {  	(pc) =	sbr.rel $0x88, $3  }
0x1: {  	(tag) =	ssettag $0x0;
	lr =	simm.s32 $0x1  }
0x2: {  	[smem:$0x3F60] =	sst lr;
	_ =	strace $0xD0000000  }
0x3: {  	_ = 	snop  }
0x4: {  	_ = 	snop  }
0x5: {  	_ = 	snop  }
0x6: {  	_ = 	snop  }
0x7: {  	_ = 	snop  }
__scs_overlays_trampoline_lowered:
0x8: {  	[smem:$0x3F6F] =	sst s0  }
0x9: {  	[smem:$0x3F70] =	sst s1  }
0xa: {  	[smem:$0x3F71] =	sst s2  }
0xb: {  	[smem:$0x3F72] =	sst s3  }
0xc: {  	[smem:$0x3F73] =	sst s4  }
0xd: {  	[smem:$0x3F74] =	sst s5  }
0xe: {  	[smem:$0x3F75] =	sst s6  }
0xf: {  	[smem:$0x3F76] =	sst s7  }
0x10: {  	[smem:$0x3F77] =	sst s8  }
0x11: {  	[smem:$0x3F78] =	sst s9;
	s0 =	simm.s32 @!p0 $0x0  }
0x12: {  	s1 =	sld [smem:$0x3F5E];
	s0 =	simm.s32 @p0 $0x1  }
0x13: {  	[smem:$0x3F79] =	sst s0;
	s0 =	simm.s32 @!p1 $0x0  }
0x14: {  	s2 =	sld [smem:$0x3F5D];
	s0 =	simm.s32 @p1 $0x1  }
0x15: {  	[smem:$0x3F7A] =	sst s0;
	s0 =	simm.s32 @!p2 $0x0  }
0x16: {  	s3 =	sld [smem:$0x3FDB];
	s0 =	simm.s32 @p2 $0x1  }
0x17: {  	s4 =	simm.s32 $0x1BF5;
	[smem:$0x3F7C] =	sst s0  }
0x18: {  	s0 =	sld [smem:$0x3F5F];
	_ =	swait.ge [sflag:s4], $0x0  }
0x19: {  	s7 =	sld [smem:$0x3F60]  }
0x1a: {  	s8 =	sadd.s32 $0xFFFFE003, lr  }
0x1b: {  	s9 =	sadd.s32 $0xFFFFFEF7, lr;
	s5 =	simm.s32 $0xFFFFFFFF;
	p2 =	slt.u32 s8, $0xFFFFF086  }
0x1c: {  	p1 =	slt.u32 s9, $0xF7A;
	s5 =	simm.s32 @!p2 $0x0  }
0x1d: {  	s5 =	simm.s32 @p1 $0x1;
	p0 =	seq.s32 s7, s2  }
0x1e: {  	s7 =	smul.u32 @!p0 $0xF7A, s2;
	p2 =	seq.s32 @!p0 s5, $0x0  }
0x1f: {  	s9 =	smul.u32 $0xF7A, s1;
	s8 =	simm.s32 @!p0 $0x1BF5;
	p2 =	por !p2, p0  }
0x20: {  	[sflag:s8] =	ssyncset.s32 @!p0 $0xFFFFF086;
	s6 =	sadd.s32 @!p0 s3, s7;
	s7 =	simm.s32 @!p0 $0x108  }
0x21: {  	s3 =	sadd.s32 s3, s9;
	s6 =	sadd.s32 @!p0 $0x88, s6;
	s7 =	simm.s32 @p2 $0x1082  }
0x22: {  	[simem:s7], [sflag:s8] =	dma.local @!p0 [hbm:s6], $0xF7A  }
0x23: {  	s9 =	sor.u32 $0xD0000000, s2;
	s6 =	simm.s32 $0x108;
	_ =	swait.ge @!p0 [sflag:s8], $0x0  }
0x24: {  	s3 =	sadd.s32 $0x88, s3;
	s6 =	simm.s32 @!p1 $0x1082;
	[sflag:s4] =	ssyncset.s32 $0xFFFFF086  }
0x25: {  	[simem:s6], [sflag:s4] =	dma.local [hbm:s3], $0xF7A  }
0x26: {  	[smem:$0x3F60] =	sst s1;
	(tag) =	ssettag s2;
	_ =	strace s9  }
0x27: {  	s1 =	sld [smem:$0x3F70]  }
0x28: {  	s2 =	sld [smem:$0x3F71]  }
0x29: {  	s4 =	sld [smem:$0x3F73]  }
0x2a: {  	p0 =	seq.s32 s5, $0x0;
	s5 =	sld [smem:$0x3F74]  }
0x2b: {  	s6 =	sld [smem:$0x3F75]  }
0x2c: {  	s7 =	sld [smem:$0x3F76]  }
0x2d: {  	s3 =	simm.s32 $0x108;
	s8 =	sld [smem:$0x3F77]  }
0x2e: {  	s3 =	simm.s32 @!p0 $0x1082;
	s9 =	sld [smem:$0x3F78]  }
0x2f: {  	lr =	sadd.s32 s0, s3;
	s0 =	sld [smem:$0x3F6F]  }
0x30: {  	s3 =	sld [smem:$0x3F72]  }
0x31: {  	[smem:$0x3F7B] =	sst s10  }
0x32: {  	s10 =	sld [smem:$0x3F79];
	_ =	sdelay $0x3  }
0x33: {  	p0 =	seq.s32 s10, $0x1;
	s10 =	sld [smem:$0x3F7B];
	_ =	sdelay $0x3  }
0x34: {  	[smem:$0x3F7B] =	sst s10  }
0x35: {  	s10 =	sld [smem:$0x3F7A];
	_ =	sdelay $0x3  }
0x36: {  	p1 =	seq.s32 s10, $0x1;
	s10 =	sld [smem:$0x3F7B];
	_ =	sdelay $0x3  }
0x37: {  	[smem:$0x3F7B] =	sst s10  }
0x38: {  	s10 =	sld [smem:$0x3F7C]  }
0x39: {  	_ = 	snop;
	(pc) =	sbr.ind lr, $3  }
0x3a: {  	_ = 	snop  }
0x3b: {  	_ = 	snop  }
0x3c: {  	p2 =	seq.s32 s10, $0x1;
	s10 =	sld [smem:$0x3F7B]  }
0x3d: {  	_ =	shalt  }
0x3e: {  	_ =	shalt  }
0x3f: {  	_ =	shalt  }
0x40: {  	_ =	shalt  }
0x41: {  	_ =	shalt  }
0x42: {  	_ =	shalt  }
0x43: {  	_ =	shalt  }
0x44: {  	_ =	shalt  }
0x45: {  	_ =	shalt  }
0x46: {  	_ =	shalt  }
0x47: {  	_ =	shalt  }
0x48: {  	_ =	shalt  }
0x49: {  	_ =	shalt  }
0x4a: {  	_ =	shalt  }
0x4b: {  	_ =	shalt  }
0x4c: {  	_ =	shalt  }
0x4d: {  	_ =	shalt  }
0x4e: {  	_ =	shalt  }
0x4f: {  	_ =	shalt  }
0x50: {  	_ =	shalt  }
0x51: {  	_ =	shalt  }
0x52: {  	_ =	shalt  }
0x53: {  	_ =	shalt  }
0x54: {  	_ =	shalt  }
0x55: {  	_ =	shalt  }
0x56: {  	_ =	shalt  }
0x57: {  	_ =	shalt  }
0x58: {  	_ =	shalt  }
0x59: {  	_ =	shalt  }
0x5a: {  	_ =	shalt  }
0x5b: {  	_ =	shalt  }
0x5c: {  	_ =	shalt  }
0x5d: {  	_ =	shalt  }
0x5e: {  	_ =	shalt  }
0x5f: {  	_ =	shalt  }
0x60: {  	_ =	shalt  }
0x61: {  	_ =	shalt  }
0x62: {  	_ =	shalt  }
0x63: {  	_ =	shalt  }
0x64: {  	_ =	shalt  }
0x65: {  	_ =	shalt  }
0x66: {  	_ =	shalt  }
0x67: {  	_ =	shalt  }
0x68: {  	_ =	shalt  }
0x69: {  	_ =	shalt  }
0x6a: {  	_ =	shalt  }
0x6b: {  	_ =	shalt  }
0x6c: {  	_ =	shalt  }
0x6d: {  	_ =	shalt  }
0x6e: {  	_ =	shalt  }
0x6f: {  	_ =	shalt  }
0x70: {  	_ =	shalt  }
0x71: {  	_ =	shalt  }
0x72: {  	_ =	shalt  }
0x73: {  	_ =	shalt  }
0x74: {  	_ =	shalt  }
0x75: {  	_ =	shalt  }
0x76: {  	_ =	shalt  }
0x77: {  	_ =	shalt  }
0x78: {  	_ =	shalt  }
0x79: {  	_ =	shalt  }
0x7a: {  	_ =	shalt  }
0x7b: {  	_ =	shalt  }
0x7c: {  	_ =	shalt  }
0x7d: {  	_ =	shalt  }
0x7e: {  	_ =	shalt  }
0x7f: {  	_ =	shalt  }
0x80: {  	_ =	shalt  }
0x81: {  	_ =	shalt  }
0x82: {  	_ =	shalt  }
0x83: {  	_ =	shalt  }
0x84: {  	_ =	shalt  }
0x85: {  	_ =	shalt  }
0x86: {  	_ =	shalt  }
0x87: {  	_ =	shalt  }
.Lfunc_end0:
.L_simem_size_0:
called_computation.2_lowered:
.L_overlay_start_0:
0x88: {  	s2 =	sld [smem:$0x3FD9]  }
0x89: {  	s3 =	sld [smem:$0x3FFE];
	_ =	sdelay $0x1  }
0x8a: {  	s1 =	srdreg.scid  }
0x8b: {  	s0 =	sand.u32 $0x1, s1  }
0x8c: {  	s14 =	sshll.u32 s0, $0xA;
	s2 =	sadd.s32 s3, s2  }
0x8d: {  	s2 =	sadd.s32 s2, s14  }
0x8e: {  	[smem:$0x3F87] =	sst s2  }
0x8f: {  	_ = 	snop  }
0x90: {  	s2 =	sld [smem:$0x3FD0];
	_ =	sdelay $0x2  }
0x91: {  	s15 =	simm.s32 $0xB;
	s4 =	simm.s32 $0x10  }
0x92: {  	[smem:s4], [sflag:s15] =	dma.local [hbm:s2], $0x1  }
0x93: {  	_ =	swait.eq [sflag:s15], $0x1  }
0x94: {  	[sflag:s15] =	ssyncset.done $0x0  }
0x95: {  	[sflag:s15] =	ssyncadd.s32 $0xFFFFFFFF  }
0x96: {  	s16 =	sld [smem:$0x11];
	(tm) =	ssettm $0x1  }
0x97: {  	s17 =	sld [smem:$0x3FFB];
	_ =	sdelay $0x3  }
0x98: {  	_ =	strace s17  }
0x99: {  	s3 =	sld [smem:$0x3FFC];
	_ =	sdelay $0x3  }
0x9a: {  	_ =	strace s3  }
0x9b: {  	s3 =	sld [smem:$0x3FFD];
	_ =	sdelay $0x3  }
0x9c: {  	_ =	strace s3  }
0x9d: {  	_ =	strace $0x8FFFFFFF  }
0x9e: {  	s18 =	sld [smem:$0x3FDB];
	_ =	sdelay $0x1  }
0x9f: {  	s19 =	simm.s32 $_scs_section_size  }
0xa0: {  	s5 =	simm.s32 $_size__tile_overlayer_lowered;
	s6 =	simm.s32 $_tile_overlayer_lowered  }
0xa1: {  	s22 =	simm.s32 $0x1BFF;
	s21 =	sshll.u32 s6, $0x1;
	s3 =	sadd.s32 s19, s18  }
0xa2: {  	s7 =	simm.s32 $0x0;
	s20 =	sshll.u32 s5, $0x1;
	s5 =	sadd.s32 s21, s3  }
0xa3: {  	[timem:s7], [sflag:s22] =	dma.local [hbm:s5], s20  }
0xa4: {  	_ =	swait.ge [sflag:s22], s20  }
0xa5: {  	s4 =	ssub.s32 $0x0, s20;
	[sflag:s22] =	ssyncset.done $0x0  }
0xa6: {  	[sflag:s22] =	ssyncadd.s32 s4;
	_ =	sdelay $0x1  }
0xa7: {  	s23 =	simm.s32 $0x1B8B  }
0xa8: {  	_ =	swait.ge [sflag:s23], $0x1  }
0xa9: {  	[sflag:s23] =	ssyncset.done $0x0  }
0xaa: {  	s25 =	simm.s32 $0x1B8E;
	s24 =	sld [smem:$0x3FFE];
	[sflag:s23] =	ssyncadd.s32 $0xFFFFFFFF  }
0xab: {  	s26 =	simm.s32 $execute0_lowered;
	[smem:$0x3FD2] =	sst s25  }
0xac: {  	s5 =	sshll.u32 s26, $0x1;
	_ =	strace $0x80000046;
	[dreg:$0x1] =	wrdreg $0xFFFFFFFF  }
0xad: {  	s28 =	simm.s32 $_size_execute0_lowered;
	s3 =	sadd.s32 s3, s5;
	[dreg:$0x0] =	wrdreg $0x0  }
0xae: {  	s5 =	sshll.u32 s28, $0x1;
	[dreg:$0x2] =	wrdreg s3  }
0xaf: {  	[dreg:$0x3] =	wrdreg s5  }
0xb0: {  	[dreg:$0x4] =	wrdreg $0xC0  }
0xb1: {  	_ =	task [dreg:s7], $0x5FFFF  }
0xb2: {  	[dreg:$0x1] =	wrdreg $0xFFFFFFFF  }
0xb3: {  	[dreg:$0x0] =	wrdreg $0x60  }
0xb4: {  	[dreg:$0x2] =	wrdreg s24  }
0xb5: {  	[dreg:$0x3] =	wrdreg s16  }
0xb6: {  	[dreg:$0x4] =	wrdreg $0x9  }
0xb7: {  	_ =	task.clear_ibuf [dreg:s7], $0x5FFFF;
	_ =	strace $0x90000046  }
0xb8: {  	s29 =	simm.s32 $0x9;
	_ =	strace $0x80000048  }
0xb9: {  	_ =	swait.ge [sflag:s29], $0x1  }
0xba: {  	[sflag:s29] =	ssyncadd.s32 $0xFFFFFFFF  }
0xbb: {  	_ =	strace $0x90000048  }
0xbc: {  	_ =	sfence  }
0xbd: {  	s30 =	sld [smem:$0x0];
	_ =	sdelay $0x2  }
0xbe: {  	s31 =	sshll.u32 s1, $0xD;
	s1 =	sshrl.u32 s1, $0x2  }
0xbf: {  	s3 =	sand.u32 $0x4000, s31;
	s1 =	sadd.s32 s1, s30  }
0xc0: {  	s0 =	sor.u32 s3, s0;
	s1 =	sshll.u32 s1, $0x11  }
0xc1: {  	s0 =	sor.u32 s1, s0  }
0xc2: {  	s0 =	sadd.s32 $0x8F2B, s0  }
0xc3: {  	[sflag:s0] =	ssyncadd.remote.s32 $0x1  }
0xc4: {  	_ =	sfence.sel $0xFFFF  }
0xc5: {  	[dreg:$0x0] =	wrdreg $0xFFFFFFFF;
	(pc) =	sbr.abs _section_cstart, $3  }
0xc6: {  	[dreg:$0x1] =	wrdreg $0xFFFFFFFF  }
0xc7: {  	_ =	task.clear_ibuf [dreg:s7], $0x2FFFF;
	_ =	strace $0x9FFFFFFF  }
0xc8: {  	(tm) =	ssettm $0x7FFFFFFF  }
0xc9: {  	_ =	shalt  }
tec
execute0_lowered:
.L_overlay_start_1:
0x0: {  	(tag) =	ssettag $0x1  }
0x1: {  	s2 =	rddreg [dreg:$0x0]  }
0x2: {  	s3 =	rddreg [dreg:$0x1]  }
0x3: {  	s0 =	rddreg [dreg:$0x2];
	s1 =	srdreg.scid;
	_ =	strace $0x80000047  }
0x4: {  	s4 =	simm.s32 $0x1;
	s9 =	simm.s32 $0x3;
	s5 =	sshll.u32 s1, $0x4  }
.Ltmp0:
0x5: {  	s1 =	stileid.u32;
	s5 =	sand.u32 $0x10, s5;
	(pc) =	sbr.rel .LBB2_1-.Ltmp0, $4  }
0x6: {  	s12 =	simm.s32 $0x0;
	s10 =	simm.s32 $0x0;
	s6 =	sor.u32 s1, s5  }
0x7: {  	[sflag:s4] =	ssyncpa.u1 $0x0;
	s5 =	simm.s32 $0x2;
	s6 =	sshll.u32 s6, $0x8  }
0x8: {  	s7 =	sadd.s32 $0x138800, s2;
	[sflag:s5] =	ssyncpa.u1 $0x0;
	s8 =	sadd.s32 $0x100, s6  }
0x9: {  	vm0 =	vmmov $0xff;
	vm1 =	vcmask $0x3F20;
	[sflag:s9] =	ssyncpa.u1 $0x0;
	s9 =	simm.s32 $0x100;
	s11 =	smov.u32 s6  }
.LBB2_9:
0xa: {  	p0 =	seq.s32 s10, $0x2  }
.Ltmp1:
0xb: {  	_ = 	snop;
	(pc) =	sbr.rel @p0 .LBB2_11-.Ltmp1, $1  }
0xc: {  	_ =	sdelay $0x3  }
.LBB2_10:
0xd: {  	s12 =	sadd.s32 $0x100, s11  }
0xe: {  	s13 =	smov.u32 s6;
	p0 =	slt.s32 s12, s8  }
0xf: {  	s13 =	smov.u32 @p0 s12  }
0x10: {  	s10 =	sadd.s32 $0x1, s10;
	s12 =	smov.u32 s11;
	s11 =	smov.u32 s13  }
.LBB2_1:
0x11: {  	p0 =	sne.s32 s10, $0x0  }
.Ltmp2:
0x12: {  	_ = 	snop;
	(pc) =	sbr.rel @!p0 .LBB2_2-.Ltmp2, $1  }
0x13: {  	_ =	sdelay $0x3  }
0x14: {  	s13 =	sand.u32 $0x1, s10  }
0x15: {  	p0 =	seq.s32 s13, $0x0  }
.Ltmp3:
0x16: {  	_ = 	snop;
	(pc) =	sbr.rel @p0 .LBB2_9-.Ltmp3, $1  }
0x17: {  	_ =	sdelay $0x3  }
0x18: {  	_ =	swait.ge [sflag:s5], $0x100  }
0x19: {  	[sflag:s5] =	ssyncset.done $0x0  }
0x1a: {  	s13 =	simm.s32 $0x0;
	[sflag:s5] =	ssyncadd.s32 $0xFFFFFF00  }
0x1b: {  	v0 =	vld.msk [tilespmem:s13+$0x100 ss:$0x1], $0xffff;
	_ =	sdelay $0x4  }
0x1c: {  	v1 =	vand.u32 $0x3, v0;
	v2 =	vshll.u32 v0, $0x5  }
0x1d: {  	vm2 =	veq.s32 v0, $0x80000000;
	v0 =	vmul.u32 $0x271000, v1;
	v1 =	vand.u32 $0x3FFF80, v2  }
0x1e: {  	v1 =	vsel vm2, $0xFFFFFF80, v1  }
0x1f: {  	v0 =	vsel vm2, $0xFFD8F000, v0;
	v2 =	vand.u32 $0xFFFFFC00, v1  }
0x20: {  	v1 =	vand.u32 $0x380, v1;
	v0 =	vadd.s32 v0, v2  }
0x21: {  	v0 =	vor.u32 v1, v0  }
0x22: {  	v0 =	vshrl.u32 v0, $0x3;
	_ =	sdelay $0x3  }
0x23: {  	s13 =	simm.s32 $0x8200  }
0x24: {  	[tilespmem:s13], [sflag:$0x1] =	stream.indirect_vreg.gather [hbm:s2], $0x80, v0, vm0, $0x38;
	[tilespmem:$0x10200] =	vst v63  }
0x25: {  	s14 =	simm.s32 $0x8600;
	s31 =	simm.s32 $0x10  }
0x26: {  	[tilespmem:s14], [sflag:$0x1] =	stream.indirect_vreg.gather [hbm:s2], $0x80, v0, vm1, $0x38;
	[tilespmem:$0x10200] =	vst v63  }
0x27: {  	s14 =	simm.s32 $0x80;
	v0 =	vld.msk [tilespmem:s31+$0x100 ss:$0x1], $0xffff  }
.LBB2_5:
0x28: {  	p0 =	sne.s32 s14, $0x3C0;
	_ =	sdelay $0x4  }
0x29: {  	v1 =	vand.u32 $0x3, v0;
	v2 =	vshll.u32 v0, $0x5  }
0x2a: {  	vm2 =	veq.s32 v0, $0x80000000;
	v0 =	vmul.u32 $0x271000, v1;
	v1 =	vand.u32 $0x3FFF80, v2  }
0x2b: {  	v1 =	vsel vm2, $0xFFFFFF80, v1  }
0x2c: {  	v0 =	vsel vm2, $0xFFD8F000, v0;
	v2 =	vand.u32 $0xFFFFFC00, v1  }
0x2d: {  	v1 =	vand.u32 $0x380, v1;
	v0 =	vadd.s32 v0, v2  }
0x2e: {  	v0 =	vor.u32 v1, v0  }
0x2f: {  	v0 =	vshrl.u32 v0, $0x3;
	_ =	sdelay $0x3  }
.Ltmp4:
0x30: {  	s13 =	sadd.s32 $0x800, s13;
	(pc) =	sbr.rel @p0 .LBB2_5-.Ltmp4, $4  }
0x31: {  	[tilespmem:s13], [sflag:$0x1] =	stream.indirect_vreg.gather [hbm:s2], $0x80, v0, vm0, $0x38;
	[tilespmem:$0x10200] =	vst v63  }
0x32: {  	s15 =	sshra.s32 s14, $0x2;
	s16 =	sadd.s32 $0x400, s13  }
0x33: {  	[tilespmem:s16], [sflag:$0x1] =	stream.indirect_vreg.gather [hbm:s2], $0x80, v0, vm1, $0x38;
	[tilespmem:$0x10200] =	vst v63  }
0x34: {  	s14 =	sadd.s32 $0x40, s14;
	v0 =	vld.msk [tilespmem:s15+$0x100 ss:$0x1], $0xffff  }
0x35: {  	_ =	sdelay $0x3  }
0x36: {  	v1 =	vand.u32 $0x3, v0;
	v2 =	vshll.u32 v0, $0x5  }
0x37: {  	vm2 =	veq.s32 v0, $0x80000000;
	v61 =	vmul.u32 $0x271000, v1;
	v62 =	vand.u32 $0x3FFF80, v2  }
0x38: {  	v1 =	vsel vm2, $0xFFFFFF80, v62  }
0x39: {  	v0 =	vsel vm2, $0xFFD8F000, v61;
	v63 =	vand.u32 $0xFFFFFC00, v1  }
0x3a: {  	v1 =	vand.u32 $0x380, v1;
	v0 =	vadd.s32 v0, v63  }
0x3b: {  	v0 =	vor.u32 v1, v0  }
0x3c: {  	v0 =	vshrl.u32 v0, $0x3;
	_ =	sdelay $0x3  }
0x3d: {  	s13 =	sadd.s32 $0x800, s13  }
0x3e: {  	[tilespmem:s13], [sflag:$0x1] =	stream.indirect_vreg.gather [hbm:s2], $0x80, v0, vm0, $0x38;
	[tilespmem:$0x10200] =	vst v63  }
0x3f: {  	s13 =	sadd.s32 $0x400, s13  }
0x40: {  	[tilespmem:s13], [sflag:$0x1] =	stream.indirect_vreg.gather [hbm:s2], $0x80, v0, vm1, $0x38;
	[tilespmem:$0x10200] =	vst v63  }
0x41: {  	s12 =	sshll.u32 s12, $0x4;
	s14 =	simm.s32 $0x80;
	_ =	swait.ge [sflag:s4], $0x8000  }
0x42: {  	s15 =	simm.s32 $0x8600;
	s12 =	sadd.s32 s12, s7;
	[sflag:s4] =	ssyncset.done $0x0  }
0x43: {  	s16 =	sadd.s32 $0x0, s12;
	s13 =	simm.s32 $0x8200;
	[sflag:s4] =	ssyncadd.s32 $0xFFFF8000  }
.LBB2_7:
0x44: {  	[hbm:s16] =	stream.linear.scatter [tilespmem:s13], [sflag:$0x3], $0x400, $0x38;
	[tilespmem:$0x10200] =	vst v63  }
0x45: {  	s16 =	smov.u32 s14;
	s13 =	smov.u32 s15;
	p0 =	sne.s32 s14, $0xF80  }
.Ltmp5:
0x46: {  	s14 =	sadd.s32 $0x80, s14;
	(pc) =	sbr.rel @p0 .LBB2_7-.Ltmp5, $2  }
0x47: {  	_ =	sdelay $0x2  }
0x48: {  	s15 =	sadd.s32 $0x400, s15;
	s16 =	sadd.s32 s16, s12  }
.Ltmp6:
0x49: {  	(pc) =	sbr.rel .LBB2_9-.Ltmp6, $2  }
0x4a: {  	_ =	sdelay $0x2  }
0x4b: {  	[hbm:s16] =	stream.linear.scatter [tilespmem:s13], [sflag:$0x3], $0x400, $0x38;
	[tilespmem:$0x10200] =	vst v63  }
.LBB2_2:
.Ltmp7:
0x4c: {  	(pc) =	sbr.rel .LBB2_10-.Ltmp7, $4  }
0x4d: {  	_ = 	snop  }
0x4e: {  	s12 =	sshrl.u32 s11, $0x3  }
0x4f: {  	s13 =	sand.u32 $0x7, s11;
	s12 =	sadd.s32 s3, s12  }
0x50: {  	[tilespmem:s9], [sflag:$0x2] =	stream.linear.gather [hbm4b:s12+s13], $0x100, $0x38;
	[tilespmem:$0x10200] =	vst v63  }
.LBB2_11:
0x51: {  	s2 =	simm.s32 $0x3  }
0x52: {  	_ =	swait.ge [sflag:s2], $0x8000  }
0x53: {  	[sflag:s2] =	ssyncset.done $0x0  }
0x54: {  	[sflag:s2] =	ssyncadd.s32 $0xFFFF8000  }
0x55: {  	_ =	sfence.sel $0x180000  }
0x56: {  	s3 =	simm.s32 $0x2;
	[bflag:$0x0] =	sbarrier.arrive $0xFFFF  }
0x57: {  	[sflag:s3] =	ssyncpa.u1 $0x1  }
0x58: {  	s31 =	simm.s32 $0x1;
	[sflag:s2] =	ssyncpa.u1 $0x1  }
0x59: {  	[sflag:s31] =	ssyncpa.u1 $0x1  }
0x5a: {  	p0 =	sne.s32 s1, $0x0;
	_ =	strace $0x90000047  }
0x5b: {  	s0 =	sadd.s32 @!p0 $0x100000, s0;
	[bflag:$0x2] =	sbarrier.arrive $0xFFFF  }
0x5c: {  	[sflag:s0] =	ssyncadd.tile.s32 @!p0 $0x1;
	_ =	shalt  }
.Lfunc_end2:
_tile_overlayer_lowered:
.L_overlay_start_2:
0x5d: {  	(tag) =	ssettag $0x2  }
0x5e: {  	s0 =	rddreg [dreg:$0x0];
	s2 =	stileid.u32  }
0x5f: {  	s1 =	rddreg [dreg:$0x1];
	p0 =	sne.s32 s2, $0x0  }
0x60: {  	s3 =	rddreg [dreg:$0x2];
	[bflag:$0x3] =	sbarrier.arrive $0xFFFF;
	s2 =	simm.s32 @!p0 $0x1C01  }
0x61: {  	[timem:s3], [sflag:s2] =	dma.local @!p0 [hbm:s0], s1  }
0x62: {  	s0 =	simm.s32 @!p0 $0x1  }
0x63: {  	_ =	swait.ge @!p0 [sflag:s0], s1  }
0x64: {  	s1 =	ssub.s32 @!p0 $0x0, s1;
	[sflag:s0] =	ssyncset.done @!p0 $0x0  }
0x65: {  	[sflag:s0] =	ssyncadd.s32 @!p0 s1  }
0x66: {  	[bflag:$0x3] =	sbarrier.arrive $0xFFFF  }
0x67: {  	_ =	shalt  }

// kernel: sparse-core-data-format-call.1.cloned.1.call-start
scs
called_computation.1_lowered:
.L_overlay_start_0:
0x0: {  	s2 =	sld [smem:$0x3FD9]  }
0x1: {  	s3 =	sld [smem:$0x3FFE];
	_ =	sdelay $0x1  }
0x2: {  	s1 =	srdreg.scid  }
0x3: {  	s0 =	sand.u32 $0x1, s1  }
0x4: {  	s18 =	sshll.u32 s0, $0xA;
	s2 =	sadd.s32 s3, s2  }
0x5: {  	s2 =	sadd.s32 s2, s18  }
0x6: {  	[smem:$0x3F87] =	sst s2  }
0x7: {  	_ = 	snop  }
0x8: {  	(tm) =	ssettm $0x1  }
0x9: {  	s19 =	sld [smem:$0x3FFB];
	_ =	sdelay $0x3  }
0xa: {  	_ =	strace s19  }
0xb: {  	s2 =	sld [smem:$0x3FFC];
	_ =	sdelay $0x3  }
0xc: {  	_ =	strace s2  }
0xd: {  	s2 =	sld [smem:$0x3FFD];
	_ =	sdelay $0x3  }
0xe: {  	_ =	strace s2  }
0xf: {  	_ =	strace $0x8FFFFFFF  }
0x10: {  	s20 =	sld [smem:$0x3FDB];
	_ =	sdelay $0x1  }
0x11: {  	s21 =	simm.s32 $_scs_section_size  }
0x12: {  	s4 =	simm.s32 $_size__tile_overlayer_lowered;
	s5 =	simm.s32 $_tile_overlayer_lowered  }
0x13: {  	s6 =	simm.s32 $0x1BFF;
	s22 =	sshll.u32 s5, $0x1;
	s3 =	sadd.s32 s21, s20  }
0x14: {  	s23 =	simm.s32 $0x0;
	s4 =	sshll.u32 s4, $0x1;
	s5 =	sadd.s32 s22, s3  }
0x15: {  	[timem:s23], [sflag:s6] =	dma.local [hbm:s5], s4  }
0x16: {  	_ =	swait.ge [sflag:s6], s4  }
0x17: {  	s4 =	ssub.s32 $0x0, s4;
	[sflag:s6] =	ssyncset.done $0x0  }
0x18: {  	[sflag:s6] =	ssyncadd.s32 s4;
	_ =	sdelay $0x1  }
0x19: {  	s24 =	simm.s32 $0x1B8B  }
0x1a: {  	_ =	swait.ge [sflag:s24], $0x1  }
0x1b: {  	[sflag:s24] =	ssyncset.done $0x0  }
0x1c: {  	[sflag:s24] =	ssyncadd.s32 $0xFFFFFFFF  }
0x1d: {  	s4 =	sld [smem:$0x0]  }
0x1e: {  	s5 =	sand.u32 $0xFFFFFFFE, s1  }
0x1f: {  	p0 =	sne.s32 s1, s5  }
0x20: {  	s5 =	sshll.u32 @p0 s5, $0xE  }
0x21: {  	s5 =	sadd.s32 @p0 $0x11B8D, s5;
	s6 =	sshll.u32 @p0 s4, $0x11  }
0x22: {  	s5 =	sor.u32 @p0 s6, s5  }
0x23: {  	[sflag:s5] =	ssyncadd.remote.s32 @p0 $0x1;
	_ =	sdelay $0x1  }
0x24: {  	s5 =	simm.s32 @p0 $0x1B8D  }
0x25: {  	_ =	swait.eq @p0 [sflag:s5], $0x1  }
0x26: {  	[sflag:s5] =	ssyncadd.s32 @p0 $0xFFFFFFFF  }
0x27: {  	s6 =	sshll.u32 @!p0 s1, $0xE  }
0x28: {  	s6 =	sor.u32 @!p0 $0x4000, s6;
	s5 =	simm.s32 @!p0 $0x1B8D  }
0x29: {  	s4 =	sshll.u32 @!p0 s4, $0x11;
	s6 =	sadd.s32 @!p0 $0x11B8D, s6;
	_ =	swait.eq @!p0 [sflag:s5], $0x1  }
0x2a: {  	s4 =	sor.u32 @!p0 s4, s6;
	[sflag:s5] =	ssyncadd.s32 @!p0 $0xFFFFFFFF  }
0x2b: {  	s26 =	simm.s32 $0x1B8E;
	s25 =	sld [smem:$0x3FFE];
	[sflag:s4] =	ssyncadd.remote.s32 @!p0 $0x1  }
0x2c: {  	s27 =	simm.s32 $execute0_lowered;
	[smem:$0x3FD2] =	sst s26  }
0x2d: {  	s5 =	sshll.u32 s27, $0x1;
	_ =	strace $0x8000004F;
	[dreg:$0x1] =	wrdreg $0xFFFFFFFF  }
0x2e: {  	s28 =	simm.s32 $_size_execute0_lowered;
	s3 =	sadd.s32 s3, s5;
	[dreg:$0x0] =	wrdreg $0x0  }
0x2f: {  	s5 =	sshll.u32 s28, $0x1;
	[dreg:$0x2] =	wrdreg s3  }
0x30: {  	[dreg:$0x3] =	wrdreg s5  }
0x31: {  	[dreg:$0x4] =	wrdreg $0xC0  }
0x32: {  	_ =	task [dreg:s23], $0x5FFFF  }
0x33: {  	[dreg:$0x1] =	wrdreg $0xFFFFFFFF  }
0x34: {  	[dreg:$0x0] =	wrdreg $0x60  }
0x35: {  	[dreg:$0x2] =	wrdreg s25  }
0x36: {  	[dreg:$0x3] =	wrdreg $0x9  }
0x37: {  	_ =	task.clear_ibuf [dreg:s23], $0x4FFFF;
	_ =	strace $0x9000004F  }
0x38: {  	s29 =	simm.s32 $0x9;
	_ =	strace $0x80000051  }
0x39: {  	_ =	swait.ge [sflag:s29], $0x1  }
0x3a: {  	[sflag:s29] =	ssyncadd.s32 $0xFFFFFFFF  }
0x3b: {  	_ =	strace $0x90000051  }
0x3c: {  	_ =	sfence  }
0x3d: {  	s30 =	sld [smem:$0x0];
	_ =	sdelay $0x2  }
0x3e: {  	s31 =	sshll.u32 s1, $0xD;
	s1 =	sshrl.u32 s1, $0x2  }
0x3f: {  	s4 =	sand.u32 $0x4000, s31;
	s1 =	sadd.s32 s1, s30  }
0x40: {  	s0 =	sor.u32 s4, s0;
	s1 =	sshll.u32 s1, $0x11  }
0x41: {  	s0 =	sor.u32 s1, s0  }
0x42: {  	s0 =	sadd.s32 $0x8F2B, s0  }
0x43: {  	[sflag:s0] =	ssyncadd.remote.s32 $0x1  }
0x44: {  	_ =	sfence.sel $0xFFFF  }
0x45: {  	[dreg:$0x0] =	wrdreg $0xFFFFFFFF;
	(pc) =	sbr.abs _section_cstart, $3  }
0x46: {  	[dreg:$0x1] =	wrdreg $0xFFFFFFFF  }
0x47: {  	_ =	task.clear_ibuf [dreg:s23], $0x2FFFF;
	_ =	strace $0x9FFFFFFF  }
0x48: {  	(tm) =	ssettm $0x7FFFFFFF  }
0x49: {  	_ =	shalt  }
tec
execute0_lowered:
.L_overlay_start_1:
0x0: {  	(tag) =	ssettag $0x1  }
0x1: {  	s0 =	stileid.u32;
	s1 =	srdreg.scid  }
0x2: {  	s4 =	rddreg [dreg:$0x0];
	s7 =	simm.s32 $0x1;
	s31 =	simm.s32 $0x2  }
0x3: {  	s16 =	simm.s32 $0x0;
	s2 =	sshll.u32 s0, $0x5;
	s1 =	sshll.u32 s1, $0x9  }
0x4: {  	s9 =	simm.s32 $0x2000;
	s14 =	simm.s32 $0x0;
	s1 =	sor.u32 s2, s1  }
0x5: {  	s15 =	simm.s32 $0x0;
	s10 =	simm.s32 $0x0;
	s2 =	sand.u32 $0x380, s1  }
0x6: {  	s13 =	simm.s32 $0x0;
	s3 =	sadd.s32 $0x18200, s4;
	s5 =	ssub.s32 $0x400, s2  }
0x7: {  	s4 =	sadd.s32 $0x158800, s4;
	s1 =	rddreg [dreg:$0x1];
	s6 =	sand.u32 $0x380, s5  }
.Ltmp0:
0x8: {  	_ =	strace $0x80000050;
	p0 =	sne.s32 s6, $0x0;
	(pc) =	sbr.rel .LBB1_1-.Ltmp0, $4  }
0x9: {  	s11 =	smov.u32 s2;
	s8 =	sshrl.u32 s5, $0xA;
	s7 =	simm.s32 @!p0 $0x0  }
0xa: {  	s5 =	sand.u32 $0x3, s0;
	s6 =	simm.s32 $0x1;
	s7 =	sadd.s32 s7, s8  }
0xb: {  	s12 =	smov.u32 s5;
	[sflag:s6] =	ssyncpa.u1 $0x0;
	s7 =	sshll.u32 s7, $0x4  }
0xc: {  	p0 =	por $0x0, $0x0;
	[sflag:s31] =	ssyncpa.u1 $0x0;
	s8 =	sor.u32 $0x1, s7  }
.LBB1_4:
0xd: {  	v5 =	vld [tilespmem:s20+$0xFFFFFFD0];
	[tilespmem:s19+$0x2040 ss:$0x81] =	vst.msk $0xffff, v1  }
0xe: {  	v58 =	vld [tilespmem:s20+$0xFFFFFFE0];
	[tilespmem:s19+$0x2850 ss:$0x81] =	vst.msk $0xffff, v2  }
0xf: {  	s21 =	sshra.s32 s21, $0x2;
	v59 =	vld [tilespmem:s20+$0xFFFFFFF0];
	[tilespmem:s19+$0x3060 ss:$0x81] =	vst.msk $0xffff, v3  }
0x10: {  	v60 =	vld [tilespmem:s20+$0x0];
	[tilespmem:s19+$0x0 ss:$0x81] =	vst.msk $0xffff, v0;
	s18 =	sadd.s32 s21, s18  }
0x11: {  	v61 =	vld [tilespmem:s20+$0x10];
	[tilespmem:s18+$0x3870 ss:$0x81] =	vst.msk $0xffff, v4  }
0x12: {  	v62 =	vld [tilespmem:s20+$0x20];
	s26 =	sshll.u32 s16, $0xA;
	s27 =	sshll.u32 s14, $0x3;
	[tilespmem:s18+$0x810 ss:$0x81] =	vst.msk $0xffff, v5  }
0x13: {  	v63 =	vld [tilespmem:s20+$0xFFFFFFC0];
	s29 =	sshll.u32 s16, $0x7;
	s30 =	sand.u32 $0x78, s14;
	s15 =	sshll.u32 s15, $0x12;
	[tilespmem:s18+$0x1020 ss:$0x81] =	vst.msk $0xffff, v58  }
0x14: {  	s19 =	sand.u32 $0x1FE000, s26;
	s28 =	sand.u32 $0x1FFC00, s27;
	s16 =	sand.u32 $0x380, s29;
	[tilespmem:s18+$0x1830 ss:$0x81] =	vst.msk $0xffff, v59  }
0x15: {  	s31 =	sand.u32 $0x7, s14;
	s19 =	sadd.s32 s28, s19;
	s16 =	sor.u32 s30, s16;
	[tilespmem:s18+$0x2040 ss:$0x81] =	vst.msk $0xffff, v60  }
0x16: {  	s15 =	sadd.s32 s4, s15;
	s19 =	sshrl.u32 s19, $0x3;
	s16 =	sshrl.u32 s16, $0x3;
	[tilespmem:s18+$0x2850 ss:$0x81] =	vst.msk $0xffff, v61  }
0x17: {  	s14 =	sshll.u32 s31, $0x12;
	s19 =	sand.u32 $0x3FF80, s19;
	s15 =	sadd.s32 s16, s15;
	[tilespmem:s18+$0x3060 ss:$0x81] =	vst.msk $0xffff, v62  }
0x18: {  	s14 =	sor.u32 $0x400, s14;
	[tilespmem:s18+$0x0 ss:$0x81] =	vst.msk $0xffff, v63;
	s15 =	sadd.s32 s19, s15  }
0x19: {  	[hbm4b:s15+s14] =	stream.strided.scatter [tilespmem:s17], [sflag:$0x2], $0x4000, s9, s14, $0x20;
	[tilespmem:$0x10100] =	vst v63  }
.LBB1_5:
0x1a: {  	s17 =	sadd.s32 $0x80, s10  }
0x1b: {  	s14 =	sadd.s32 $0x400, s11;
	s18 =	smov.u32 s11;
	p2 =	sgt.s32 s17, $0x7FF  }
0x1c: {  	s18 =	smov.u32 @p2 s14  }
0x1d: {  	s20 =	smov.u32 s12;
	s14 =	sadd.s32 $0x4, s12;
	p3 =	sgt.s32 s18, $0x3FF  }
0x1e: {  	s20 =	smov.u32 @p3 s14  }
0x1f: {  	s17 =	simm.s32 @p2 $0x0;
	p2 =	sgt.s32 s20, $0x3  }
0x20: {  	p1 =	slt.u32 s13, $0x2;
	s20 =	smov.u32 @p2 s5;
	p2 =	sne.s32 s13, s8  }
.Ltmp1:
0x21: {  	s19 =	simm.s32 @!p1 $0x2;
	(pc) =	sbr.rel @!p2 .LBB1_6-.Ltmp1, $4  }
0x22: {  	s16 =	smov.u32 s10;
	s15 =	smov.u32 s12;
	_ =	swait.ge @!p1 [sflag:s19], $0x4000  }
0x23: {  	p0 =	por !p0, !p0;
	[sflag:s19] =	ssyncset.done @!p1 $0x0;
	s10 =	smov.u32 s17  }
0x24: {  	s18 =	smov.u32 @p3 s2;
	s14 =	smov.u32 s11;
	[sflag:s19] =	ssyncadd.s32 @!p1 $0xFFFFC000  }
0x25: {  	s11 =	smov.u32 s18;
	s13 =	sadd.s32 $0x1, s13;
	s12 =	smov.u32 s20  }
.LBB1_1:
0x26: {  	p1 =	sge.u32 s13, s7;
	s31 =	sadd.s32 $0xFFFFFFFF, s13  }
0x27: {  	s17 =	sxor.u32 @!p1 $0xFFFFFFFF, s13;
	s18 =	sand.u32 @!p1 $0x78, s10;
	s19 =	sshll.u32 @!p1 s11, $0xB  }
0x28: {  	s20 =	sshll.u32 @!p1 s11, $0x7;
	s21 =	sshll.u32 @!p1 s10, $0x3;
	s17 =	sshll.u32 @!p1 s17, $0xE  }
0x29: {  	s19 =	sand.u32 @!p1 $0x1FC000, s19;
	s20 =	sand.u32 @!p1 $0x380, s20;
	s17 =	sand.u32 @!p1 $0x4000, s17  }
0x2a: {  	s19 =	sadd.s32 @!p1 s19, s21;
	s21 =	sand.u32 @!p1 $0x400, s21;
	s18 =	sor.u32 @!p1 s20, s18  }
0x2b: {  	s20 =	sshll.u32 @!p1 s12, $0x12;
	s18 =	sor.u32 @!p1 s21, s18;
	s19 =	sshrl.u32 @!p1 s19, $0x3  }
0x2c: {  	s20 =	sadd.s32 @!p1 s3, s20;
	s21 =	sand.u32 @!p1 $0x7, s10;
	s19 =	sand.u32 @!p1 $0x3FF00, s19  }
0x2d: {  	s18 =	sshrl.u32 @!p1 s18, $0x3;
	s19 =	sadd.s32 @!p1 s19, s20;
	s20 =	sshll.u32 @!p1 s21, $0x12  }
0x2e: {  	s18 =	sadd.s32 @!p1 s18, s19;
	s19 =	sor.u32 @!p1 $0x400, s20;
	s20 =	simm.s32 @!p1 $0x4000  }
0x2f: {  	[tilespmem:s17], [sflag:$0x1] =	stream.strided.gather @!p1 [hbm4b:s18+s19], $0x4000, s20, s19, $0x38;
	[tilespmem:$0x10100] =	vst v63  }
0x30: {  	p1 =	sge.u32 s31, s7  }
.Ltmp2:
0x31: {  	_ = 	snop;
	(pc) =	sbr.rel @p1 .LBB1_5-.Ltmp2, $1  }
0x32: {  	_ =	sdelay $0x3  }
0x33: {  	s17 =	simm.s32 $0x1  }
0x34: {  	_ =	swait.ge [sflag:s6], $0x4000;
	s17 =	simm.s32 @!p0 $0x0  }
0x35: {  	[sflag:s6] =	ssyncset.done $0x0;
	s18 =	sshll.u32 s17, $0xE  }
0x36: {  	[sflag:s6] =	ssyncadd.s32 $0xFFFFC000;
	s20 =	sor.u32 $0x40, s18  }
0x37: {  	s17 =	smul.u32 $0x10200, s17;
	v0 =	vld [tilespmem:s20+$0x30]  }
0x38: {  	v3 =	vld [tilespmem:s20+$0xFFFFFFD0]  }
0x39: {  	s17 =	sshrl.u32 s17, $0x2;
	v4 =	vld [tilespmem:s20+$0xFFFFFFE0]  }
0x3a: {  	v5 =	vld [tilespmem:s20+$0xFFFFFFF0];
	s18 =	sor.u32 $0x8000, s17  }
0x3b: {  	s31 =	sand.u32 $0x1, s13;
	v1 =	vld [tilespmem:s20+$0x0];
	s19 =	sadd.s32 $0x0, s18  }
0x3c: {  	v2 =	vld [tilespmem:s20+$0x10];
	s17 =	smul.u32 $0x10200, s31;
	[tilespmem:s19+$0x3870 ss:$0x81] =	vst.msk $0xffff, v0  }
0x3d: {  	[tilespmem:s19+$0x810 ss:$0x81] =	vst.msk $0xffff, v3;
	v3 =	vld [tilespmem:s20+$0x20]  }
0x3e: {  	s17 =	sshrl.u32 s17, $0x2;
	v0 =	vld [tilespmem:s20+$0xFFFFFFC0];
	[tilespmem:s19+$0x1020 ss:$0x81] =	vst.msk $0xffff, v4;
	s20 =	sadd.s32 $0x80, s20  }
0x3f: {  	s21 =	simm.s32 $0x4;
	s22 =	simm.s32 $0x8;
	s17 =	sor.u32 $0x8000, s17;
	[tilespmem:s19+$0x1830 ss:$0x81] =	vst.msk $0xffff, v5;
	v4 =	vld [tilespmem:s20+$0x30]  }
.LBB1_3:
0x40: {  	p1 =	sne.s32 s22, $0x1FC;
	v5 =	vld [tilespmem:s20+$0xFFFFFFD0];
	[tilespmem:s19+$0x2040 ss:$0x81] =	vst.msk $0xffff, v1  }
0x41: {  	v6 =	vld [tilespmem:s20+$0xFFFFFFE0];
	[tilespmem:s19+$0x2850 ss:$0x81] =	vst.msk $0xffff, v2  }
0x42: {  	s23 =	sshra.s32 s21, $0x2;
	s21 =	smov.u32 s22;
	v7 =	vld [tilespmem:s20+$0xFFFFFFF0];
	[tilespmem:s19+$0x3060 ss:$0x81] =	vst.msk $0xffff, v3  }
.Ltmp3:
0x43: {  	v1 =	vld [tilespmem:s20+$0x0];
	[tilespmem:s19+$0x0 ss:$0x81] =	vst.msk $0xffff, v0;
	s19 =	sadd.s32 s23, s18;
	(pc) =	sbr.rel @p1 .LBB1_3-.Ltmp3, $4  }
0x44: {  	v2 =	vld [tilespmem:s20+$0x10];
	[tilespmem:s19+$0x3870 ss:$0x81] =	vst.msk $0xffff, v4  }
0x45: {  	[tilespmem:s19+$0x810 ss:$0x81] =	vst.msk $0xffff, v5;
	v3 =	vld [tilespmem:s20+$0x20]  }
0x46: {  	v0 =	vld [tilespmem:s20+$0xFFFFFFC0];
	[tilespmem:s19+$0x1020 ss:$0x81] =	vst.msk $0xffff, v6;
	s20 =	sadd.s32 $0x80, s20  }
0x47: {  	s22 =	sadd.s32 $0x4, s22;
	v4 =	vld [tilespmem:s20+$0x30];
	[tilespmem:s19+$0x1830 ss:$0x81] =	vst.msk $0xffff, v7  }
.Ltmp4:
0x48: {  	_ = 	snop;
	(pc) =	sbr.rel .LBB1_4-.Ltmp4, $1  }
0x49: {  	_ =	sdelay $0x3  }
.LBB1_6:
0x4a: {  	_ =	sfence.sel $0x180000  }
0x4b: {  	s2 =	simm.s32 $0x1;
	[bflag:$0x0] =	sbarrier.arrive $0xFFFF  }
0x4c: {  	s31 =	simm.s32 $0x2;
	[sflag:s2] =	ssyncpa.u1 $0x1  }
0x4d: {  	[sflag:s31] =	ssyncpa.u1 $0x1  }
0x4e: {  	p0 =	sne.s32 s0, $0x0;
	_ =	strace $0x90000050  }
0x4f: {  	s0 =	sadd.s32 @!p0 $0x100000, s1;
	[bflag:$0x2] =	sbarrier.arrive $0xFFFF  }
0x50: {  	[sflag:s0] =	ssyncadd.tile.s32 @!p0 $0x1;
	_ =	shalt  }
.Lfunc_end1:
_tile_overlayer_lowered:
.L_overlay_start_2:
0x51: {  	(tag) =	ssettag $0x2  }
0x52: {  	s0 =	rddreg [dreg:$0x0];
	s2 =	stileid.u32  }
0x53: {  	s1 =	rddreg [dreg:$0x1];
	p0 =	sne.s32 s2, $0x0  }
0x54: {  	s3 =	rddreg [dreg:$0x2];
	[bflag:$0x3] =	sbarrier.arrive $0xFFFF;
	s2 =	simm.s32 @!p0 $0x1C01  }
0x55: {  	[timem:s3], [sflag:s2] =	dma.local @!p0 [hbm:s0], s1  }
0x56: {  	s0 =	simm.s32 @!p0 $0x1  }
0x57: {  	_ =	swait.ge @!p0 [sflag:s0], s1  }
0x58: {  	s1 =	ssub.s32 @!p0 $0x0, s1;
	[sflag:s0] =	ssyncset.done @!p0 $0x0  }
0x59: {  	[sflag:s0] =	ssyncadd.s32 @!p0 s1  }
0x5a: {  	[bflag:$0x3] =	sbarrier.arrive $0xFFFF  }
0x5b: {  	_ =	shalt  }

// kernel: sparse-core-data-format-call.cloned.1.call-start
scs
called_computation_lowered:
.L_overlay_start_0:
0x0: {  	s1 =	sld [smem:$0x3FD9]  }
0x1: {  	s2 =	sld [smem:$0x3FFE];
	_ =	sdelay $0x1  }
0x2: {  	s3 =	srdreg.scid  }
0x3: {  	s0 =	sand.u32 $0x1, s3  }
0x4: {  	s17 =	sshll.u32 s0, $0xA;
	s1 =	sadd.s32 s2, s1  }
0x5: {  	s1 =	sadd.s32 s1, s17  }
0x6: {  	[smem:$0x3F87] =	sst s1  }
0x7: {  	_ = 	snop  }
0x8: {  	(tm) =	ssettm $0x1  }
0x9: {  	s18 =	sld [smem:$0x3FFB];
	_ =	sdelay $0x3  }
0xa: {  	_ =	strace s18  }
0xb: {  	s1 =	sld [smem:$0x3FFC];
	_ =	sdelay $0x3  }
0xc: {  	_ =	strace s1  }
0xd: {  	s1 =	sld [smem:$0x3FFD];
	_ =	sdelay $0x3  }
0xe: {  	_ =	strace s1  }
0xf: {  	_ =	strace $0x8FFFFFFF  }
0x10: {  	s19 =	sld [smem:$0x3FDB];
	_ =	sdelay $0x1  }
0x11: {  	s20 =	simm.s32 $_scs_section_size  }
0x12: {  	s4 =	simm.s32 $_size__tile_overlayer_lowered;
	s5 =	simm.s32 $_tile_overlayer_lowered  }
0x13: {  	s23 =	simm.s32 $0x1BFF;
	s22 =	sshll.u32 s5, $0x1;
	s1 =	sadd.s32 s20, s19  }
0x14: {  	s6 =	simm.s32 $0x0;
	s21 =	sshll.u32 s4, $0x1;
	s4 =	sadd.s32 s22, s1  }
0x15: {  	[timem:s6], [sflag:s23] =	dma.local [hbm:s4], s21  }
0x16: {  	_ =	swait.ge [sflag:s23], s21  }
0x17: {  	s2 =	ssub.s32 $0x0, s21;
	[sflag:s23] =	ssyncset.done $0x0  }
0x18: {  	[sflag:s23] =	ssyncadd.s32 s2;
	_ =	sdelay $0x1  }
0x19: {  	s24 =	simm.s32 $0x1B8B  }
0x1a: {  	_ =	swait.ge [sflag:s24], $0x1  }
0x1b: {  	[sflag:s24] =	ssyncset.done $0x0  }
0x1c: {  	s26 =	simm.s32 $0x1B8E;
	s25 =	sld [smem:$0x3FFE];
	[sflag:s24] =	ssyncadd.s32 $0xFFFFFFFF  }
0x1d: {  	s27 =	simm.s32 $execute0_lowered;
	[smem:$0x3FD2] =	sst s26  }
0x1e: {  	s4 =	sshll.u32 s27, $0x1;
	_ =	strace $0x80000052;
	[dreg:$0x1] =	wrdreg $0xFFFFFFFF  }
0x1f: {  	s28 =	simm.s32 $_size_execute0_lowered;
	s1 =	sadd.s32 s1, s4;
	[dreg:$0x0] =	wrdreg $0x0  }
0x20: {  	s4 =	sshll.u32 s28, $0x1;
	[dreg:$0x2] =	wrdreg s1  }
0x21: {  	[dreg:$0x3] =	wrdreg s4  }
0x22: {  	[dreg:$0x4] =	wrdreg $0xC0  }
0x23: {  	_ =	task [dreg:s6], $0x5FFFF  }
0x24: {  	[dreg:$0x1] =	wrdreg $0xFFFFFFFF  }
0x25: {  	[dreg:$0x0] =	wrdreg $0x60  }
0x26: {  	[dreg:$0x2] =	wrdreg s25  }
0x27: {  	[dreg:$0x3] =	wrdreg $0x9  }
0x28: {  	_ =	task.clear_ibuf [dreg:s6], $0x4FFFF;
	_ =	strace $0x90000052  }
0x29: {  	s29 =	simm.s32 $0x9;
	_ =	strace $0x80000054  }
0x2a: {  	_ =	swait.ge [sflag:s29], $0x1  }
0x2b: {  	[sflag:s29] =	ssyncadd.s32 $0xFFFFFFFF  }
0x2c: {  	_ =	strace $0x90000054  }
0x2d: {  	_ =	sfence  }
0x2e: {  	s30 =	sld [smem:$0x0];
	_ =	sdelay $0x2  }
0x2f: {  	s31 =	sshll.u32 s3, $0xD;
	s3 =	sshrl.u32 s3, $0x2  }
0x30: {  	s2 =	sand.u32 $0x4000, s31;
	s1 =	sadd.s32 s3, s30  }
0x31: {  	s0 =	sor.u32 s2, s0;
	s1 =	sshll.u32 s1, $0x11  }
0x32: {  	s0 =	sor.u32 s1, s0  }
0x33: {  	s0 =	sadd.s32 $0x8F2B, s0  }
0x34: {  	[sflag:s0] =	ssyncadd.remote.s32 $0x1  }
0x35: {  	_ =	sfence.sel $0xFFFF  }
0x36: {  	[dreg:$0x0] =	wrdreg $0xFFFFFFFF;
	(pc) =	sbr.abs _section_cstart, $3  }
0x37: {  	[dreg:$0x1] =	wrdreg $0xFFFFFFFF  }
0x38: {  	_ =	task.clear_ibuf [dreg:s6], $0x2FFFF;
	_ =	strace $0x9FFFFFFF  }
0x39: {  	(tm) =	ssettm $0x7FFFFFFF  }
tec
execute0_lowered:
.L_overlay_start_1:
0x0: {  	(tag) =	ssettag $0x1  }
0x1: {  	s0 =	stileid.u32;
	s1 =	srdreg.scid  }
0x2: {  	s4 =	rddreg [dreg:$0x0];
	s7 =	simm.s32 $0x1;
	s31 =	simm.s32 $0x2  }
0x3: {  	s15 =	simm.s32 $0x0;
	s2 =	sshll.u32 s0, $0x5;
	s1 =	sshll.u32 s1, $0x9  }
0x4: {  	s9 =	simm.s32 $0x1000;
	s14 =	simm.s32 $0x0;
	s1 =	sor.u32 s2, s1  }
0x5: {  	s16 =	simm.s32 $0x0;
	s10 =	simm.s32 $0x0;
	s2 =	sand.u32 $0x380, s1  }
0x6: {  	s13 =	simm.s32 $0x0;
	s3 =	sadd.s32 $0x158800, s4;
	s5 =	ssub.s32 $0x400, s2  }
0x7: {  	s4 =	sadd.s32 $0x17C00, s4;
	s1 =	rddreg [dreg:$0x1];
	s6 =	sand.u32 $0x380, s5  }
.Ltmp0:
0x8: {  	_ =	strace $0x80000053;
	p0 =	sne.s32 s6, $0x0;
	(pc) =	sbr.rel .LBB1_1-.Ltmp0, $4  }
0x9: {  	s11 =	smov.u32 s2;
	s8 =	sshrl.u32 s5, $0xA;
	s7 =	simm.s32 @!p0 $0x0  }
0xa: {  	s5 =	sand.u32 $0x3, s0;
	s6 =	simm.s32 $0x1;
	s7 =	sadd.s32 s7, s8  }
0xb: {  	s12 =	smov.u32 s5;
	[sflag:s6] =	ssyncpa.u1 $0x0;
	s7 =	sshll.u32 s7, $0x4  }
0xc: {  	p0 =	por $0x0, $0x0;
	[sflag:s31] =	ssyncpa.u1 $0x0;
	s8 =	sor.u32 $0x1, s7  }
.LBB1_4:
0xd: {  	v11 =	vld [tilespmem:s20+$0xFFFFFFE0];
	v12 =	vcombine.low v6, v7  }
0xe: {  	v3 =	vperm.xlane.i2c.b16 v3;
	[tilespmem:s22+$0x3870 ss:$0x81] =	vst.msk $0xffff, v9;
	v45 =	vld [tilespmem:s20+$0xFFFFFFF0];
	v4 =	vperm.xlane.i2c.b16 v4  }
0xf: {  	v46 =	vcombine.high v6, v7;
	[tilespmem:s19+$0x2040 ss:$0x81] =	vst.msk $0xffff, v10;
	v47 =	vld [tilespmem:s20+$0x0];
	v5 =	vperm.xlane.i2c.b16 v5  }
0x10: {  	v49 =	vld [tilespmem:s20+$0x10];
	v1 =	vperm.xlane.i2c.b16 v1;
	[tilespmem:s22+$0x810 ss:$0x81] =	vst.msk $0xffff, v12;
	v48 =	vcombine.low v8, v3  }
0x11: {  	v51 =	vld [tilespmem:s20+$0xFFFFFFC0];
	v58 =	vperm.xlane.i2c.b16 v2;
	v50 =	vcombine.low v4, v0;
	[tilespmem:s22+$0x2850 ss:$0x81] =	vst.msk $0xffff, v46  }
0x12: {  	s27 =	sshra.s32 s21, $0x2;
	v3 =	vcombine.high v8, v3;
	v52 =	vcombine.low v1, v5;
	[tilespmem:s22+$0x1020 ss:$0x81] =	vst.msk $0xffff, v48  }
0x13: {  	s17 =	sadd.s32 s27, s17;
	v1 =	vcombine.high v1, v5;
	v55 =	vcombine.high v4, v0;
	[tilespmem:s22+$0x0 ss:$0x81] =	vst.msk $0xffff, v50  }
0x14: {  	[tilespmem:s17+$0x1830 ss:$0x81] =	vst.msk $0xffff, v52;
	v11 =	vperm.xlane.i2c.b16 v11;
	v53 =	vperm.xlane.i2c.b16 v45  }
0x15: {  	[tilespmem:s22+$0x3060 ss:$0x81] =	vst.msk $0xffff, v3;
	v54 =	vperm.xlane.i2c.b16 v47;
	v57 =	vperm.xlane.i2c.b16 v49  }
0x16: {  	[tilespmem:s17+$0x3870 ss:$0x81] =	vst.msk $0xffff, v1;
	v60 =	vperm.xlane.i2c.b16 v51;
	v56 =	vcombine.low v11, v53  }
0x17: {  	[tilespmem:s22+$0x2040 ss:$0x81] =	vst.msk $0xffff, v55;
	v61 =	vcombine.low v54, v57  }
0x18: {  	v63 =	vcombine.low v60, v58;
	[tilespmem:s17+$0x810 ss:$0x81] =	vst.msk $0xffff, v56  }
0x19: {  	s16 =	sshll.u32 s16, $0x12;
	s28 =	sshrl.u32 s14, $0x1;
	v59 =	vcombine.high v11, v53;
	[tilespmem:s17+$0x1020 ss:$0x81] =	vst.msk $0xffff, v61  }
0x1a: {  	s15 =	sshll.u32 s15, $0xD;
	s29 =	sshrl.u32 s14, $0x3;
	s16 =	sadd.s32 s4, s16;
	v62 =	vcombine.high v54, v57;
	[tilespmem:s17+$0x0 ss:$0x81] =	vst.msk $0xffff, v63  }
0x1b: {  	s30 =	sand.u32 $0x7, s14;
	s19 =	sand.u32 $0x1FC0, s28;
	s15 =	sadd.s32 s15, s16;
	v0 =	vcombine.high v60, v58;
	[tilespmem:s17+$0x2850 ss:$0x81] =	vst.msk $0xffff, v59  }
0x1c: {  	s31 =	sand.u32 $0xF, s29;
	s14 =	sshll.u32 s30, $0x12;
	s15 =	sadd.s32 s19, s15;
	[tilespmem:s17+$0x3060 ss:$0x81] =	vst.msk $0xffff, v62  }
0x1d: {  	s14 =	sor.u32 $0x200, s14;
	s15 =	sadd.s32 s31, s15;
	[tilespmem:s17+$0x2040 ss:$0x81] =	vst.msk $0xffff, v0  }
0x1e: {  	[hbm4b:s15+s14] =	stream.strided.scatter [tilespmem:s18], [sflag:$0x2], $0x4000, s9, s14, $0x20;
	[tilespmem:$0x10100] =	vst v63  }
.LBB1_5:
0x1f: {  	s17 =	sadd.s32 $0x2, s10  }
0x20: {  	s14 =	sadd.s32 $0x400, s11;
	s18 =	smov.u32 s11;
	p2 =	sgt.s32 s17, $0x1F  }
0x21: {  	s18 =	smov.u32 @p2 s14  }
0x22: {  	s20 =	smov.u32 s12;
	s14 =	sadd.s32 $0x4, s12;
	p3 =	sgt.s32 s18, $0x3FF  }
0x23: {  	s20 =	smov.u32 @p3 s14  }
0x24: {  	s17 =	simm.s32 @p2 $0x0;
	p2 =	sgt.s32 s20, $0x3  }
0x25: {  	p1 =	slt.u32 s13, $0x2;
	s20 =	smov.u32 @p2 s5;
	p2 =	sne.s32 s13, s8  }
.Ltmp1:
0x26: {  	s19 =	simm.s32 @!p1 $0x2;
	(pc) =	sbr.rel @!p2 .LBB1_6-.Ltmp1, $4  }
0x27: {  	s15 =	smov.u32 s10;
	s16 =	smov.u32 s12;
	_ =	swait.ge @!p1 [sflag:s19], $0x4000  }
0x28: {  	p0 =	por !p0, !p0;
	[sflag:s19] =	ssyncset.done @!p1 $0x0;
	s10 =	smov.u32 s17  }
0x29: {  	s18 =	smov.u32 @p3 s2;
	s14 =	smov.u32 s11;
	[sflag:s19] =	ssyncadd.s32 @!p1 $0xFFFFC000  }
0x2a: {  	s11 =	smov.u32 s18;
	s13 =	sadd.s32 $0x1, s13;
	s12 =	smov.u32 s20  }
.LBB1_1:
0x2b: {  	p1 =	sge.u32 s13, s7;
	s31 =	sadd.s32 $0xFFFFFFFF, s13  }
0x2c: {  	s17 =	sshll.u32 @!p1 s12, $0x12;
	s18 =	sshll.u32 @!p1 s11, $0x8;
	s19 =	sshll.u32 @!p1 s10, $0x3  }
0x2d: {  	s20 =	sxor.u32 @!p1 $0xFFFFFFFF, s13;
	s17 =	sadd.s32 @!p1 s3, s17;
	s19 =	sand.u32 @!p1 $0xF0, s19  }
0x2e: {  	s17 =	sadd.s32 @!p1 s18, s17;
	s18 =	sshll.u32 @!p1 s20, $0xE;
	s20 =	simm.s32 @!p1 $0x800  }
0x2f: {  	s17 =	sadd.s32 @!p1 s19, s17;
	s18 =	sand.u32 @!p1 $0x4000, s18;
	s19 =	simm.s32 @!p1 $0x80  }
0x30: {  	[tilespmem:s18], [sflag:$0x1] =	stream.strided.gather @!p1 [hbm4b:s17+s19], $0x4000, s20, s19, $0x38;
	[tilespmem:$0x10100] =	vst v63  }
0x31: {  	p1 =	sge.u32 s31, s7  }
.Ltmp2:
0x32: {  	_ = 	snop;
	(pc) =	sbr.rel @p1 .LBB1_5-.Ltmp2, $1  }
0x33: {  	_ =	sdelay $0x3  }
0x34: {  	s17 =	simm.s32 $0x1  }
0x35: {  	_ =	swait.ge [sflag:s6], $0x4000;
	s17 =	simm.s32 @!p0 $0x0  }
0x36: {  	[sflag:s6] =	ssyncset.done $0x0;
	s18 =	sshll.u32 s17, $0xE  }
0x37: {  	[sflag:s6] =	ssyncadd.s32 $0xFFFFC000;
	s18 =	sor.u32 $0x40, s18  }
0x38: {  	v0 =	vld [tilespmem:s18+$0x20]  }
0x39: {  	v1 =	vld [tilespmem:s18+$0x30]  }
0x3a: {  	v2 =	vld [tilespmem:s18+$0xFFFFFFD0]  }
0x3b: {  	v3 =	vld [tilespmem:s18+$0xFFFFFFE0]  }
0x3c: {  	v4 =	vld [tilespmem:s18+$0xFFFFFFF0]  }
0x3d: {  	v5 =	vld [tilespmem:s18+$0x0]  }
0x3e: {  	v6 =	vld [tilespmem:s18+$0x10]  }
0x3f: {  	v7 =	vld [tilespmem:s18+$0xFFFFFFC0]  }
0x40: {  	s17 =	smul.u32 $0x10200, s17;
	v1 =	vperm.xlane.i2c.b16 v1;
	v0 =	vperm.xlane.i2c.b16 v0  }
0x41: {  	s18 =	sadd.s32 $0x80, s18;
	v10 =	vperm.xlane.i2c.b16 v2;
	v3 =	vperm.xlane.i2c.b16 v3  }
0x42: {  	s17 =	sshrl.u32 s17, $0x2;
	v9 =	vld [tilespmem:s18+$0x30];
	v4 =	vperm.xlane.i2c.b16 v4;
	v5 =	vperm.xlane.i2c.b16 v5  }
0x43: {  	s17 =	sor.u32 $0x8000, s17;
	v2 =	vld [tilespmem:s18+$0x20];
	v6 =	vperm.xlane.i2c.b16 v6;
	v8 =	vcombine.low v0, v1  }
0x44: {  	v12 =	vld [tilespmem:s18+$0xFFFFFFF0];
	s19 =	sadd.s32 $0x0, s17;
	v13 =	vperm.xlane.i2c.b16 v7;
	v11 =	vcombine.low v3, v4  }
0x45: {  	v0 =	vcombine.high v0, v1;
	v1 =	vld [tilespmem:s18+$0xFFFFFFD0];
	v7 =	vcombine.low v5, v6;
	[tilespmem:s19+$0x1830 ss:$0x81] =	vst.msk $0xffff, v8  }
0x46: {  	v8 =	vld [tilespmem:s18+$0xFFFFFFE0];
	[tilespmem:s19+$0x810 ss:$0x81] =	vst.msk $0xffff, v11  }
0x47: {  	v14 =	vld [tilespmem:s18+$0x0];
	v9 =	vperm.xlane.i2c.b16 v9;
	v5 =	vcombine.high v5, v6;
	[tilespmem:s19+$0x1020 ss:$0x81] =	vst.msk $0xffff, v7  }
0x48: {  	s20 =	sand.u32 $0x1, s13;
	[tilespmem:s19+$0x3870 ss:$0x81] =	vst.msk $0xffff, v0;
	v0 =	vcombine.high v3, v4;
	v3 =	vld [tilespmem:s18+$0x10];
	v2 =	vperm.xlane.i2c.b16 v2  }
0x49: {  	s21 =	smul.u32 $0x10200, s20;
	s20 =	sadd.s32 $0x80, s18;
	v11 =	vcombine.low v13, v10;
	v7 =	vperm.xlane.i2c.b16 v12;
	v4 =	vld [tilespmem:s18+$0xFFFFFFC0];
	[tilespmem:s19+$0x3060 ss:$0x81] =	vst.msk $0xffff, v5  }
0x4a: {  	v5 =	vld [tilespmem:s20+$0x30];
	[tilespmem:s19+$0x2850 ss:$0x81] =	vst.msk $0xffff, v0;
	v0 =	vperm.xlane.i2c.b16 v1;
	v15 =	vcombine.low v2, v9  }
0x4b: {  	s31 =	sshrl.u32 s21, $0x2;
	s22 =	sadd.s32 $0x1, s17;
	[tilespmem:s19+$0x0 ss:$0x81] =	vst.msk $0xffff, v11;
	v1 =	vld [tilespmem:s20+$0x20];
	v9 =	vcombine.high v2, v9;
	v6 =	vperm.xlane.i2c.b16 v8  }
0x4c: {  	s23 =	simm.s32 $0xC;
	s21 =	simm.s32 $0x8;
	v10 =	vcombine.high v13, v10;
	s18 =	sor.u32 $0x8000, s31;
	v2 =	vld [tilespmem:s20+$0xFFFFFFD0];
	v8 =	vperm.xlane.i2c.b16 v14;
	[tilespmem:s22+$0x1830 ss:$0x81] =	vst.msk $0xffff, v15  }
.LBB1_3:
0x4d: {  	p1 =	sne.s32 s23, $0x1FC;
	v11 =	vld [tilespmem:s20+$0xFFFFFFE0];
	v12 =	vcombine.low v6, v7;
	v3 =	vperm.xlane.i2c.b16 v3;
	[tilespmem:s22+$0x3870 ss:$0x81] =	vst.msk $0xffff, v9  }
0x4e: {  	v13 =	vperm.xlane.i2c.b16 v4;
	v4 =	vcombine.high v6, v7;
	v9 =	vld [tilespmem:s20+$0xFFFFFFF0];
	[tilespmem:s19+$0x2040 ss:$0x81] =	vst.msk $0xffff, v10;
	s19 =	smov.u32 s22  }
0x4f: {  	v10 =	vld [tilespmem:s20+$0x0];
	[tilespmem:s19+$0x810 ss:$0x81] =	vst.msk $0xffff, v12;
	v6 =	vcombine.low v8, v3;
	v7 =	vcombine.high v8, v3  }
.Ltmp3:
0x50: {  	v8 =	vperm.xlane.i2c.b16 v5;
	v12 =	vperm.xlane.i2c.b16 v1;
	v3 =	vld [tilespmem:s20+$0x10];
	[tilespmem:s19+$0x2850 ss:$0x81] =	vst.msk $0xffff, v4;
	(pc) =	sbr.rel @p1 .LBB1_3-.Ltmp3, $4  }
0x51: {  	v14 =	vperm.xlane.i2c.b16 v2;
	v2 =	vcombine.low v13, v0;
	v4 =	vld [tilespmem:s20+$0xFFFFFFC0];
	s20 =	sadd.s32 $0x80, s20;
	[tilespmem:s19+$0x1020 ss:$0x81] =	vst.msk $0xffff, v6  }
0x52: {  	s22 =	sshra.s32 s21, $0x2;
	s21 =	smov.u32 s23;
	v1 =	vld [tilespmem:s20+$0x20];
	v6 =	vperm.xlane.i2c.b16 v11;
	v11 =	vcombine.low v12, v8;
	[tilespmem:s19+$0x3060 ss:$0x81] =	vst.msk $0xffff, v7  }
0x53: {  	s22 =	sadd.s32 s22, s17;
	v5 =	vld [tilespmem:s20+$0x30];
	v7 =	vperm.xlane.i2c.b16 v9;
	v9 =	vcombine.high v12, v8;
	[tilespmem:s19+$0x0 ss:$0x81] =	vst.msk $0xffff, v2  }
0x54: {  	s23 =	sadd.s32 $0x4, s23;
	v2 =	vld [tilespmem:s20+$0xFFFFFFD0];
	v8 =	vperm.xlane.i2c.b16 v10;
	[tilespmem:s22+$0x1830 ss:$0x81] =	vst.msk $0xffff, v11;
	v10 =	vcombine.high v13, v0;
	v0 =	vmov v14  }
.Ltmp4:
0x55: {  	_ = 	snop;
	(pc) =	sbr.rel .LBB1_4-.Ltmp4, $1  }
0x56: {  	_ =	sdelay $0x3  }
.LBB1_6:
0x57: {  	_ =	sfence.sel $0x180000  }
0x58: {  	s2 =	simm.s32 $0x1;
	[bflag:$0x0] =	sbarrier.arrive $0xFFFF  }
0x59: {  	s31 =	simm.s32 $0x2;
	[sflag:s2] =	ssyncpa.u1 $0x1  }
0x5a: {  	[sflag:s31] =	ssyncpa.u1 $0x1  }
0x5b: {  	p0 =	sne.s32 s0, $0x0;
	_ =	strace $0x90000053  }
0x5c: {  	s0 =	sadd.s32 @!p0 $0x100000, s1;
	[bflag:$0x2] =	sbarrier.arrive $0xFFFF  }
0x5d: {  	[sflag:s0] =	ssyncadd.tile.s32 @!p0 $0x1;
	_ =	shalt  }
.Lfunc_end1:
_tile_overlayer_lowered:
.L_overlay_start_2:
0x5e: {  	(tag) =	ssettag $0x2  }
0x5f: {  	s0 =	rddreg [dreg:$0x0];
	s2 =	stileid.u32  }
0x60: {  	s1 =	rddreg [dreg:$0x1];
	p0 =	sne.s32 s2, $0x0  }
0x61: {  	s3 =	rddreg [dreg:$0x2];
	[bflag:$0x3] =	sbarrier.arrive $0xFFFF;
	s2 =	simm.s32 @!p0 $0x1C01  }
0x62: {  	[timem:s3], [sflag:s2] =	dma.local @!p0 [hbm:s0], s1  }
0x63: {  	s0 =	simm.s32 @!p0 $0x1  }
0x64: {  	_ =	swait.ge @!p0 [sflag:s0], s1  }
0x65: {  	s1 =	ssub.s32 @!p0 $0x0, s1;
	[sflag:s0] =	ssyncset.done @!p0 $0x0  }
0x66: {  	[sflag:s0] =	ssyncadd.s32 @!p0 s1  }
0x67: {  	[bflag:$0x3] =	sbarrier.arrive $0xFFFF  }
0x68: {  	_ =	shalt  }

</sc_bundles>
